<compile_context>
chip_gen: v7x
topology: tpu7x:2x2x1
jax: 0.10.2.dev20260603
libtpu: 0.0.44.dev20260713+nightly
codegen_flags: <defaults>
</compile_context>

<pallas_src>
import functools

import jax
import jax.numpy as jnp
from jax import lax
from jax.experimental import pallas as pl
from jax.experimental.pallas import tpu as pltpu
from jax.experimental.pallas import tpu_sc as plsc

_N_E = 1024
_E_DIM = 256
_BETA = 0.25
_B = 16
_HW = 1024
_ROWS = _B * _HW


def _vq_body(zf_ref, emb_ref, idx_ref, cnt_ref, loss_ref, perp_ref):
    i = pl.program_id(0)
    zb = zf_ref[...]
    em = emb_ref[...]

    rn = jnp.sum(zb * zb, axis=1, keepdims=True)
    en = jnp.sum(em * em, axis=1)
    mm = jax.lax.dot_general(
        zb, em, (((1,), (1,)), ((), ())),
        preferred_element_type=jnp.float32)
    d = (rn + en[None, :]) - 2.0 * mm

    dmin = jnp.min(d, axis=1, keepdims=True)
    kio = jax.lax.broadcasted_iota(jnp.int32, d.shape, 1)
    idxv = jnp.min(jnp.where(d == dmin, kio, jnp.int32(2**30)), axis=1)
    idx_ref[0, 0, :] = idxv

    oh = (kio == idxv[:, None]).astype(jnp.float32)

    @pl.when(i == 0)
    def _init():
        cnt_ref[...] = jnp.zeros_like(cnt_ref)
        loss_ref[...] = jnp.zeros_like(loss_ref)

    cnt_ref[0, :] += jnp.sum(oh, axis=0)
    loss_ref[...] += jnp.sum(dmin, keepdims=True)

    @pl.when(i == _B - 1)
    def _finalize():
        loss_ref[...] = loss_ref[...] * ((1.0 + _BETA) / (_ROWS * _E_DIM))
        cnt = cnt_ref[...]
        e_mean = cnt / jnp.sum(cnt, axis=1, keepdims=True)
        ent = jnp.sum(e_mean * jnp.log(e_mean + 1e-10), axis=1, keepdims=True)
        perp_ref[...] = jnp.exp(-ent)


def _vq_call(zf, emb):
    return pl.pallas_call(
        _vq_body,
        grid=(_B,),
        in_specs=[
            pl.BlockSpec((_HW, _E_DIM), lambda i: (i, 0)),
            pl.BlockSpec((_N_E, _E_DIM), lambda i: (0, 0)),
        ],
        out_specs=[
            pl.BlockSpec((1, 1, _N_E), lambda i: (i, 0, 0)),
            pl.BlockSpec((1, _N_E), lambda i: (0, 0)),
            pl.BlockSpec((1, 1), lambda i: (0, 0)),
            pl.BlockSpec((1, 1), lambda i: (0, 0)),
        ],
        out_shape=[
            jax.ShapeDtypeStruct((_B, 1, _HW), jnp.int32),
            jax.ShapeDtypeStruct((1, _N_E), jnp.float32),
            jax.ShapeDtypeStruct((1, 1), jnp.float32),
            jax.ShapeDtypeStruct((1, 1), jnp.float32),
        ],
        compiler_params=pltpu.CompilerParams(
            dimension_semantics=("arbitrary",),
        ),
    )(zf, emb)


_NW = 32
_RPW = _ROWS // _NW
_CHUNK = 256


@functools.partial(
    pl.kernel,
    mesh=plsc.VectorSubcoreMesh(core_axis_name="c", subcore_axis_name="s"),
    out_type=jax.ShapeDtypeStruct((_ROWS, _E_DIM), jnp.float32),
    scratch_types=[
        pltpu.VMEM((_CHUNK,), jnp.int32),
        pltpu.VMEM((_CHUNK, _E_DIM), jnp.float32),
        pltpu.SemaphoreType.DMA,
    ],
)
def _sc_gather(emb_hbm, idx_hbm, out_hbm, idx_v, rows_v, sem):
    wid = lax.axis_index("s") * 2 + lax.axis_index("c")
    base = wid * _RPW
    for j in range(_RPW // _CHUNK):
        off = base + j * _CHUNK
        pltpu.sync_copy(idx_hbm.at[pl.ds(off, _CHUNK)], idx_v)
        pltpu.async_copy(emb_hbm.at[idx_v], rows_v, sem).wait()
        pltpu.sync_copy(rows_v, out_hbm.at[pl.ds(off, _CHUNK)])


def kernel(z, emb):
    b, c, h, w = z.shape
    zf = jnp.transpose(z, (0, 2, 3, 1)).reshape(-1, c)
    idx3, cnt, loss, perp = _vq_call(zf, emb)
    idx_flat = idx3.reshape(_ROWS)
    zq = _sc_gather(emb, idx_flat)
    enc_idx = idx3.reshape(b, h, w)
    z_q_out = jnp.transpose(zq.reshape(b, h, w, c), (0, 3, 1, 2))
    return (loss.reshape(()), z_q_out, perp.reshape(()),
            cnt.reshape(_N_E), enc_idx)

# --- scband reference (transcript-rebuilt; emitter-appended) ---
"""Pipeline reference for scband-vector-quantizer-4569845203156 (READ-ONLY COPY).

The authoritative reference and input builder live on the scoring server;
editing this copy changes nothing except your own understanding.
"""

import jax, jax.numpy as jnp
import numpy as np

N_E = 1024
E_DIM = 256
BETA = 0.25


def setup_inputs(seed: int = 0) -> dict:
    key = jax.random.key(seed)
    k1, k2 = jax.random.split(key)
    z = jax.random.normal(k1, (16, E_DIM, 32, 32), dtype=jnp.float32)
    emb = jax.random.uniform(k2, (N_E, E_DIM), dtype=jnp.float32, minval=-1.0 / N_E, maxval=1.0 / N_E)
    return {"z": z, "emb": emb}


def reference(z, emb):
    sg = jax.lax.stop_gradient
    zp = jnp.transpose(z, (0, 2, 3, 1))
    b, h, w, _ = zp.shape
    zf = zp.reshape(-1, E_DIM)
    d = (jnp.sum(zf ** 2, axis=1, keepdims=True)
         + jnp.sum(emb ** 2, axis=1)
         - 2.0 * jnp.matmul(zf, emb.T))
    encoding_indices = jnp.argmin(d, axis=1)
    z_q = jnp.take(emb, encoding_indices, axis=0).reshape(b, h, w, E_DIM)
    loss = jnp.mean((sg(zp) - z_q) ** 2) + BETA * jnp.mean((zp - sg(z_q)) ** 2)
    z_q_st = zp + sg(z_q - zp)
    encodings_count = jnp.bincount(encoding_indices, minlength=N_E, length=N_E).astype(jnp.float32)
    e_mean = encodings_count / jnp.sum(encodings_count)
    perplexity = jnp.exp(-jnp.sum(e_mean * jnp.log(e_mean + 1e-10)))
    z_q_out = jnp.transpose(z_q_st, (0, 3, 1, 2))
    enc_idx = encoding_indices.reshape(b, h, w)
    return (loss, z_q_out, perplexity, encodings_count, enc_idx)

if __name__ == "__main__":
    import jax
    _d = setup_inputs()
    print(jax.jit(kernel)(*tuple(_d.values())))

</pallas_src>

<mosaic_0001>
#map = affine_map<(d0, d1) -> (0, 0)>
#map1 = affine_map<(d0, d1) -> (0)>
module attributes {stable_mosaic.version = 14 : i64} {
  func.func @_sc_gather(%arg0: i32, %arg1: i32, %arg2: memref<1024x256xf32, #tpu.memory_space<hbm>>, %arg3: memref<16384xi32, #tpu.memory_space<hbm>>, %arg4: memref<16384x256xf32, #tpu.memory_space<hbm>>, %arg5: memref<256xi32, #tpu.memory_space<vmem>>, %arg6: memref<256x256xf32, #tpu.memory_space<vmem>>, %arg7: memref<!tpu.dma_semaphore, #tpu.memory_space<semaphore_mem>>) attributes {dimension_semantics = [#tpu.dimension_semantics<core_parallel>, #tpu.dimension_semantics<subcore_parallel>], iteration_bounds = array<i64: 2, 16>, scalar_prefetch = 0 : i64, scratch_operands = 3 : i64, tpu.core_type = #tpu.core_type<sc_vector_subcore>, window_params = [{transform_indices = #map}, {transform_indices = #map1}, {transform_indices = #map}]} {
    %mul3A = arith.constant 2 : i32
    %mul3A_0 = arith.muli %arg1, %mul3A : i32
    %add3A = arith.addi %mul3A_0, %arg0 : i32
    %mul3A_1 = arith.constant 512 : i32
    %mul3A_2 = arith.muli %add3A, %mul3A_1 : i32
    %add3A_3 = arith.constant 0 : i32
    %add3A_4 = arith.addi %mul3A_2, %add3A_3 : i32
    "tpu.region"() ({
      %run_scoped3A = tpu.sem_alloc : memref<!tpu.dma_semaphore, #tpu.memory_space<semaphore_mem>>
      %dma_start3A_17 = tpu.memref_slice %arg3[%add3A_4] : memref<16384xi32, #tpu.memory_space<hbm>> -> memref<256xi32, #tpu.memory_space<hbm>>
      %dma_start3A_18 = tpu.memref_slice %arg3[%add3A_4] : memref<16384xi32, #tpu.memory_space<hbm>> -> memref<256xi32, #tpu.memory_space<hbm>>
      tpu.enqueue_dma source(%dma_start3A_18 : memref<256xi32, #tpu.memory_space<hbm>>) target(%arg5 : memref<256xi32, #tpu.memory_space<vmem>>) target_semaphore(%run_scoped3A : memref<!tpu.dma_semaphore, #tpu.memory_space<semaphore_mem>>)
      %dma_wait3A_19 = tpu.memref_slice %arg3[%add3A_4] : memref<16384xi32, #tpu.memory_space<hbm>> -> memref<256xi32, #tpu.memory_space<hbm>>
      %dma_wait3A_20 = tpu.memref_slice %arg3[%add3A_4] : memref<16384xi32, #tpu.memory_space<hbm>> -> memref<256xi32, #tpu.memory_space<hbm>>
      tpu.wait_dma2 semaphore(%run_scoped3A : memref<!tpu.dma_semaphore, #tpu.memory_space<semaphore_mem>>) src(%dma_wait3A_20 : memref<256xi32, #tpu.memory_space<hbm>>) dst(%arg5 : memref<256xi32, #tpu.memory_space<vmem>>)
      tpu.yield
    }) : () -> ()
    %dma_start3A = arith.constant 0 : i32
    %dma_start3A_5 = arith.constant 0 : i32
    %dma_start3A_6 = tpu.memref_slice %arg2[%dma_start3A, %dma_start3A_5] : memref<1024x256xf32, #tpu.memory_space<hbm>> -> memref<1024x256xf32, #tpu.memory_space<hbm>>
    tpu.enqueue_indirect_dma source(%dma_start3A_6 : memref<1024x256xf32, #tpu.memory_space<hbm>>) target(%arg6 : memref<256x256xf32, #tpu.memory_space<vmem>>) offsets(%arg5 : memref<256xi32, #tpu.memory_space<vmem>>) semaphore(%arg7 : memref<!tpu.dma_semaphore, #tpu.memory_space<semaphore_mem>>)
    %dma_wait3A = arith.constant 0 : i32
    %dma_wait3A_7 = arith.constant 0 : i32
    %dma_wait3A_8 = tpu.memref_slice %arg2[%dma_wait3A, %dma_wait3A_7] : memref<1024x256xf32, #tpu.memory_space<hbm>> -> memref<1024x256xf32, #tpu.memory_space<hbm>>
    tpu.wait_indirect_dma semaphore(%arg7 : memref<!tpu.dma_semaphore, #tpu.memory_space<semaphore_mem>>) src(%dma_wait3A_8 : memref<1024x256xf32, #tpu.memory_space<hbm>>) dst(%arg6 : memref<256x256xf32, #tpu.memory_space<vmem>>)
    "tpu.region"() ({
      %run_scoped3A = tpu.sem_alloc : memref<!tpu.dma_semaphore, #tpu.memory_space<semaphore_mem>>
      %dma_start3A_17 = arith.constant 0 : i32
      %dma_start3A_18 = tpu.memref_slice %arg4[%add3A_4, %dma_start3A_17] : memref<16384x256xf32, #tpu.memory_space<hbm>> -> memref<256x256xf32, #tpu.memory_space<hbm>>
      %dma_start3A_19 = arith.constant 0 : i32
      %dma_start3A_20 = tpu.memref_slice %arg4[%add3A_4, %dma_start3A_19] : memref<16384x256xf32, #tpu.memory_space<hbm>> -> memref<256x256xf32, #tpu.memory_space<hbm>>
      tpu.enqueue_dma source(%arg6 : memref<256x256xf32, #tpu.memory_space<vmem>>) target(%dma_start3A_20 : memref<256x256xf32, #tpu.memory_space<hbm>>) target_semaphore(%run_scoped3A : memref<!tpu.dma_semaphore, #tpu.memory_space<semaphore_mem>>)
      %dma_wait3A_21 = arith.constant 0 : i32
      %dma_wait3A_22 = tpu.memref_slice %arg4[%add3A_4, %dma_wait3A_21] : memref<16384x256xf32, #tpu.memory_space<hbm>> -> memref<256x256xf32, #tpu.memory_space<hbm>>
      %dma_wait3A_23 = arith.constant 0 : i32
      %dma_wait3A_24 = tpu.memref_slice %arg4[%add3A_4, %dma_wait3A_23] : memref<16384x256xf32, #tpu.memory_space<hbm>> -> memref<256x256xf32, #tpu.memory_space<hbm>>
      tpu.wait_dma2 semaphore(%run_scoped3A : memref<!tpu.dma_semaphore, #tpu.memory_space<semaphore_mem>>) src(%arg6 : memref<256x256xf32, #tpu.memory_space<vmem>>) dst(%dma_wait3A_24 : memref<256x256xf32, #tpu.memory_space<hbm>>)
      tpu.yield
    }) : () -> ()
    %add3A_9 = arith.constant 256 : i32
    %add3A_10 = arith.addi %mul3A_2, %add3A_9 : i32
    "tpu.region"() ({
      %run_scoped3A = tpu.sem_alloc : memref<!tpu.dma_semaphore, #tpu.memory_space<semaphore_mem>>
      %dma_start3A_17 = tpu.memref_slice %arg3[%add3A_10] : memref<16384xi32, #tpu.memory_space<hbm>> -> memref<256xi32, #tpu.memory_space<hbm>>
      %dma_start3A_18 = tpu.memref_slice %arg3[%add3A_10] : memref<16384xi32, #tpu.memory_space<hbm>> -> memref<256xi32, #tpu.memory_space<hbm>>
      tpu.enqueue_dma source(%dma_start3A_18 : memref<256xi32, #tpu.memory_space<hbm>>) target(%arg5 : memref<256xi32, #tpu.memory_space<vmem>>) target_semaphore(%run_scoped3A : memref<!tpu.dma_semaphore, #tpu.memory_space<semaphore_mem>>)
      %dma_wait3A_19 = tpu.memref_slice %arg3[%add3A_10] : memref<16384xi32, #tpu.memory_space<hbm>> -> memref<256xi32, #tpu.memory_space<hbm>>
      %dma_wait3A_20 = tpu.memref_slice %arg3[%add3A_10] : memref<16384xi32, #tpu.memory_space<hbm>> -> memref<256xi32, #tpu.memory_space<hbm>>
      tpu.wait_dma2 semaphore(%run_scoped3A : memref<!tpu.dma_semaphore, #tpu.memory_space<semaphore_mem>>) src(%dma_wait3A_20 : memref<256xi32, #tpu.memory_space<hbm>>) dst(%arg5 : memref<256xi32, #tpu.memory_space<vmem>>)
      tpu.yield
    }) : () -> ()
    %dma_start3A_11 = arith.constant 0 : i32
    %dma_start3A_12 = arith.constant 0 : i32
    %dma_start3A_13 = tpu.memref_slice %arg2[%dma_start3A_11, %dma_start3A_12] : memref<1024x256xf32, #tpu.memory_space<hbm>> -> memref<1024x256xf32, #tpu.memory_space<hbm>>
    tpu.enqueue_indirect_dma source(%dma_start3A_13 : memref<1024x256xf32, #tpu.memory_space<hbm>>) target(%arg6 : memref<256x256xf32, #tpu.memory_space<vmem>>) offsets(%arg5 : memref<256xi32, #tpu.memory_space<vmem>>) semaphore(%arg7 : memref<!tpu.dma_semaphore, #tpu.memory_space<semaphore_mem>>)
    %dma_wait3A_14 = arith.constant 0 : i32
    %dma_wait3A_15 = arith.constant 0 : i32
    %dma_wait3A_16 = tpu.memref_slice %arg2[%dma_wait3A_14, %dma_wait3A_15] : memref<1024x256xf32, #tpu.memory_space<hbm>> -> memref<1024x256xf32, #tpu.memory_space<hbm>>
    tpu.wait_indirect_dma semaphore(%arg7 : memref<!tpu.dma_semaphore, #tpu.memory_space<semaphore_mem>>) src(%dma_wait3A_16 : memref<1024x256xf32, #tpu.memory_space<hbm>>) dst(%arg6 : memref<256x256xf32, #tpu.memory_space<vmem>>)
    "tpu.region"() ({
      %run_scoped3A = tpu.sem_alloc : memref<!tpu.dma_semaphore, #tpu.memory_space<semaphore_mem>>
      %dma_start3A_17 = arith.constant 0 : i32
      %dma_start3A_18 = tpu.memref_slice %arg4[%add3A_10, %dma_start3A_17] : memref<16384x256xf32, #tpu.memory_space<hbm>> -> memref<256x256xf32, #tpu.memory_space<hbm>>
      %dma_start3A_19 = arith.constant 0 : i32
      %dma_start3A_20 = tpu.memref_slice %arg4[%add3A_10, %dma_start3A_19] : memref<16384x256xf32, #tpu.memory_space<hbm>> -> memref<256x256xf32, #tpu.memory_space<hbm>>
      tpu.enqueue_dma source(%arg6 : memref<256x256xf32, #tpu.memory_space<vmem>>) target(%dma_start3A_20 : memref<256x256xf32, #tpu.memory_space<hbm>>) target_semaphore(%run_scoped3A : memref<!tpu.dma_semaphore, #tpu.memory_space<semaphore_mem>>)
      %dma_wait3A_21 = arith.constant 0 : i32
      %dma_wait3A_22 = tpu.memref_slice %arg4[%add3A_10, %dma_wait3A_21] : memref<16384x256xf32, #tpu.memory_space<hbm>> -> memref<256x256xf32, #tpu.memory_space<hbm>>
      %dma_wait3A_23 = arith.constant 0 : i32
      %dma_wait3A_24 = tpu.memref_slice %arg4[%add3A_10, %dma_wait3A_23] : memref<16384x256xf32, #tpu.memory_space<hbm>> -> memref<256x256xf32, #tpu.memory_space<hbm>>
      tpu.wait_dma2 semaphore(%run_scoped3A : memref<!tpu.dma_semaphore, #tpu.memory_space<semaphore_mem>>) src(%arg6 : memref<256x256xf32, #tpu.memory_space<vmem>>) dst(%dma_wait3A_24 : memref<256x256xf32, #tpu.memory_space<hbm>>)
      tpu.yield
    }) : () -> ()
    return
  }
}

module attributes {stable_mosaic.version = 14 : i64} {
  func.func @_vq_body(%arg0: i32, %arg1: memref<1024x256xf32, #tpu.memory_space<vmem>>, %arg2: memref<1024x256xf32, #tpu.memory_space<vmem>>, %arg3: memref<1x1x1024xi32, #tpu.memory_space<vmem>>, %arg4: memref<1x1024xf32, #tpu.memory_space<vmem>>, %arg5: memref<1x1xf32, #tpu.memory_space<vmem>>, %arg6: memref<1x1xf32, #tpu.memory_space<vmem>>) attributes {dimension_semantics = [#tpu.dimension_semantics<arbitrary>], iteration_bounds = array<i64: 16>, scalar_prefetch = 0 : i64, scratch_operands = 0 : i64, tpu.core_type = #tpu.core_type<tc>, window_params = [{transform_indices = @transform_0, window_bounds = array<i64: 1024, 256>}, {pipeline_mode = #tpu.pipeline_mode<synchronous>, transform_indices = @transform_1, window_bounds = array<i64: 1024, 256>}, {transform_indices = @transform_2, window_bounds = array<i64: 1, 1, 1024>}, {pipeline_mode = #tpu.pipeline_mode<synchronous>, transform_indices = @transform_3, window_bounds = array<i64: 1, 1024>}, {pipeline_mode = #tpu.pipeline_mode<synchronous>, transform_indices = @transform_4, window_bounds = array<i64: 1, 1>}, {pipeline_mode = #tpu.pipeline_mode<synchronous>, transform_indices = @transform_5, window_bounds = array<i64: 1, 1>}]} {
    %get3A = arith.constant 0 : index
    %get3A_0 = arith.constant 0 : index
    %get3A_1 = vector.load %arg1[%get3A, %get3A_0] : memref<1024x256xf32, #tpu.memory_space<vmem>>, vector<1024x256xf32>
    %get3A_2 = arith.constant 0 : index
    %get3A_3 = arith.constant 0 : index
    %get3A_4 = vector.load %arg2[%get3A_2, %get3A_3] : memref<1024x256xf32, #tpu.memory_space<vmem>>, vector<1024x256xf32>
    %mul3A = arith.mulf %get3A_1, %get3A_1 : vector<1024x256xf32>
    %reduce_sum3A = arith.constant dense<0.000000e+00> : vector<1024xf32>
    %reduce_sum3A_5 = vector.multi_reduction <add>, %mul3A, %reduce_sum3A [1] : vector<1024x256xf32> to vector<1024xf32>
    %broadcast_in_dim3A = vector.shape_cast %reduce_sum3A_5 : vector<1024xf32> to vector<1024x1xf32>
    %mul3A_6 = arith.mulf %get3A_4, %get3A_4 : vector<1024x256xf32>
    %reduce_sum3A_7 = arith.constant dense<0.000000e+00> : vector<1024xf32>
    %reduce_sum3A_8 = vector.multi_reduction <add>, %mul3A_6, %reduce_sum3A_7 [1] : vector<1024x256xf32> to vector<1024xf32>
    %dot_general3A = arith.constant dense<0.000000e+00> : vector<1024x1024xf32>
    %dot_general3A_9 = tpu.matmul %get3A_1, %get3A_4, %dot_general3A {dimension_numbers = #tpu.dot_dimension_numbers<[1], [1], [0], [0], [0, 0, 1, 0], [], []>, transpose_lhs_hint = false} : vector<1024x256xf32>, vector<1024x256xf32>, vector<1024x1024xf32> -> vector<1024x1024xf32>
    %broadcast_in_dim3A_10 = vector.shape_cast %reduce_sum3A_8 : vector<1024xf32> to vector<1x1024xf32>
    %add3A = vector.broadcast %broadcast_in_dim3A : vector<1024x1xf32> to vector<1024x1024xf32>
    %add3A_11 = vector.broadcast %broadcast_in_dim3A_10 : vector<1x1024xf32> to vector<1024x1024xf32>
    %add3A_12 = arith.addf %add3A, %add3A_11 : vector<1024x1024xf32>
    %mul3A_13 = arith.constant 2.000000e+00 : f32
    %mul3A_14 = vector.broadcast %mul3A_13 : f32 to vector<1024x1024xf32>
    %mul3A_15 = arith.mulf %mul3A_14, %dot_general3A_9 : vector<1024x1024xf32>
    %sub3A = arith.subf %add3A_12, %mul3A_15 : vector<1024x1024xf32>
    %reduce_min3A = arith.constant dense<0x7F800000> : vector<1024xf32>
    %reduce_min3A_16 = vector.multi_reduction <minimumf>, %sub3A, %reduce_min3A [1] : vector<1024x1024xf32> to vector<1024xf32>
    %broadcast_in_dim3A_17 = vector.shape_cast %reduce_min3A_16 : vector<1024xf32> to vector<1024x1xf32>
    %iota3A = tpu.iota {dimensions = array<i32: 1>} : vector<1024x1024xi32>
    %eq3A = vector.broadcast %broadcast_in_dim3A_17 : vector<1024x1xf32> to vector<1024x1024xf32>
    %eq3A_18 = arith.cmpf oeq, %sub3A, %eq3A : vector<1024x1024xf32>
    %jit3A = arith.constant 1073741824 : i32
    %broadcast_in_dim3A_19 = vector.broadcast %jit3A : i32 to vector<1024x1024xi32>
    %select_n3A = arith.select %eq3A_18, %iota3A, %broadcast_in_dim3A_19 : vector<1024x1024xi1>, vector<1024x1024xi32>
    %reduce_min3A_20 = arith.constant dense<2147483647> : vector<1024xi32>
    %reduce_min3A_21 = vector.multi_reduction <minsi>, %select_n3A, %reduce_min3A_20 [1] : vector<1024x1024xi32> to vector<1024xi32>
    %swap3A = arith.constant 0 : index
    %swap3A_22 = arith.constant 0 : index
    %swap3A_23 = arith.constant 0 : index
    %swap3A_24 = vector.load %arg3[%swap3A, %swap3A_22, %swap3A_23] : memref<1x1x1024xi32, #tpu.memory_space<vmem>>, vector<1x1x1024xi32>
    %swap3A_25 = vector.shape_cast %swap3A_24 : vector<1x1x1024xi32> to vector<1024xi32>
    %swap3A_26 = vector.shape_cast %reduce_min3A_21 : vector<1024xi32> to vector<1x1x1024xi32>
    tpu.vector_store %arg3[%swap3A, %swap3A_22, %swap3A_23], %swap3A_26 {strides = array<i32>} : memref<1x1x1024xi32, #tpu.memory_space<vmem>>, vector<1x1x1024xi32>,
    %broadcast_in_dim3A_27 = vector.shape_cast %reduce_min3A_21 : vector<1024xi32> to vector<1024x1xi32>
    %eq3A_28 = vector.broadcast %broadcast_in_dim3A_27 : vector<1024x1xi32> to vector<1024x1024xi32>
    %eq3A_29 = arith.cmpi eq, %iota3A, %eq3A_28 : vector<1024x1024xi32>
    %convert_element_type3A = arith.extui %eq3A_29 : vector<1024x1024xi1> to vector<1024x1024xi32>
    %convert_element_type3A_30 = arith.sitofp %convert_element_type3A : vector<1024x1024xi32> to vector<1024x1024xf32>
    %eq3A_31 = arith.constant 0 : i32
    %eq3A_32 = arith.cmpi eq, %arg0, %eq3A_31 : i32
    %convert_element_type3A_33 = arith.extui %eq3A_32 : i1 to i32
    %cond3A = arith.constant 0 : i32
    %cond3A_34 = arith.cmpi ne, %convert_element_type3A_33, %cond3A : i32
    scf.if %cond3A_34 {
      %broadcast_in_dim3A_65 = arith.constant 0.000000e+00 : f32
      %broadcast_in_dim3A_66 = vector.broadcast %broadcast_in_dim3A_65 : f32 to vector<1x1024xf32>
      %swap3A_67 = arith.constant 0 : index
      %swap3A_68 = arith.constant 0 : index
      %swap3A_69 = vector.load %arg4[%swap3A_67, %swap3A_68] : memref<1x1024xf32, #tpu.memory_space<vmem>>, vector<1x1024xf32>
      tpu.vector_store %arg4[%swap3A_67, %swap3A_68], %broadcast_in_dim3A_66 {strides = array<i32>} : memref<1x1024xf32, #tpu.memory_space<vmem>>, vector<1x1024xf32>,
      %broadcast_in_dim3A_70 = arith.constant 0.000000e+00 : f32
      %broadcast_in_dim3A_71 = vector.broadcast %broadcast_in_dim3A_70 : f32 to vector<1x1xf32>
      %swap3A_72 = arith.constant 0 : index
      %swap3A_73 = arith.constant 0 : index
      %swap3A_74 = vector.load %arg5[%swap3A_72, %swap3A_73] : memref<1x1xf32, #tpu.memory_space<vmem>>, vector<1x1xf32>
      tpu.vector_store %arg5[%swap3A_72, %swap3A_73], %broadcast_in_dim3A_71 {strides = array<i32>} : memref<1x1xf32, #tpu.memory_space<vmem>>, vector<1x1xf32>,
    } else {
    }
    %get3A_35 = arith.constant 0 : index
    %get3A_36 = arith.constant 0 : index
    %get3A_37 = vector.load %arg4[%get3A_35, %get3A_36] : memref<1x1024xf32, #tpu.memory_space<vmem>>, vector<1x1024xf32>
    %get3A_38 = vector.shape_cast %get3A_37 : vector<1x1024xf32> to vector<1024xf32>
    %reduce_sum3A_39 = arith.constant dense<0.000000e+00> : vector<1024xf32>
    %reduce_sum3A_40 = vector.multi_reduction <add>, %convert_element_type3A_30, %reduce_sum3A_39 [0] : vector<1024x1024xf32> to vector<1024xf32>
    %add3A_41 = arith.addf %get3A_38, %reduce_sum3A_40 : vector<1024xf32>
    %swap3A_42 = arith.constant 0 : index
    %swap3A_43 = arith.constant 0 : index
    %swap3A_44 = vector.load %arg4[%swap3A_42, %swap3A_43] : memref<1x1024xf32, #tpu.memory_space<vmem>>, vector<1x1024xf32>
    %swap3A_45 = vector.shape_cast %swap3A_44 : vector<1x1024xf32> to vector<1024xf32>
    %swap3A_46 = vector.shape_cast %add3A_41 : vector<1024xf32> to vector<1x1024xf32>
    tpu.vector_store %arg4[%swap3A_42, %swap3A_43], %swap3A_46 {strides = array<i32>} : memref<1x1024xf32, #tpu.memory_space<vmem>>, vector<1x1024xf32>,
    %get3A_47 = arith.constant 0 : index
    %get3A_48 = arith.constant 0 : index
    %get3A_49 = vector.load %arg5[%get3A_47, %get3A_48] : memref<1x1xf32, #tpu.memory_space<vmem>>, vector<1x1xf32>
    %reduce_sum3A_50 = vector.shape_cast %broadcast_in_dim3A_17 : vector<1024x1xf32> to vector<1x1024x1xf32>
    %reduce_sum3A_51 = arith.constant dense<0.000000e+00> : vector<1xf32>
    %reduce_sum3A_52 = vector.multi_reduction <add>, %reduce_sum3A_50, %reduce_sum3A_51 [1, 2] : vector<1x1024x1xf32> to vector<1xf32>
    %reduce_sum3A_53 = vector.shape_cast %reduce_sum3A_52 : vector<1xf32> to vector<1x1x1xf32>
    %reduce_sum3A_54 = vector.extract %reduce_sum3A_53[0, 0, 0] : f32 from vector<1x1x1xf32>
    %broadcast_in_dim3A_55 = vector.broadcast %reduce_sum3A_54 : f32 to vector<1x1xf32>
    %add3A_56 = arith.addf %get3A_49, %broadcast_in_dim3A_55 : vector<1x1xf32>
    %swap3A_57 = arith.constant 0 : index
    %swap3A_58 = arith.constant 0 : index
    %swap3A_59 = vector.load %arg5[%swap3A_57, %swap3A_58] : memref<1x1xf32, #tpu.memory_space<vmem>>, vector<1x1xf32>
    tpu.vector_store %arg5[%swap3A_57, %swap3A_58], %add3A_56 {strides = array<i32>} : memref<1x1xf32, #tpu.memory_space<vmem>>, vector<1x1xf32>,
    %eq3A_60 = arith.constant 15 : i32
    %eq3A_61 = arith.cmpi eq, %arg0, %eq3A_60 : i32
    %convert_element_type3A_62 = arith.extui %eq3A_61 : i1 to i32
    %cond3A_63 = arith.constant 0 : i32
    %cond3A_64 = arith.cmpi ne, %convert_element_type3A_62, %cond3A_63 : i32
    scf.if %cond3A_64 {
      %get3A_65 = arith.constant 0 : index
      %get3A_66 = arith.constant 0 : index
      %get3A_67 = vector.load %arg5[%get3A_65, %get3A_66] : memref<1x1xf32, #tpu.memory_space<vmem>>, vector<1x1xf32>
      %mul3A_68 = arith.constant 2.98023224E-7 : f32
      %mul3A_69 = vector.broadcast %mul3A_68 : f32 to vector<1x1xf32>
      %mul3A_70 = arith.mulf %get3A_67, %mul3A_69 : vector<1x1xf32>
      %swap3A_71 = arith.constant 0 : index
      %swap3A_72 = arith.constant 0 : index
      %swap3A_73 = vector.load %arg5[%swap3A_71, %swap3A_72] : memref<1x1xf32, #tpu.memory_space<vmem>>, vector<1x1xf32>
      tpu.vector_store %arg5[%swap3A_71, %swap3A_72], %mul3A_70 {strides = array<i32>} : memref<1x1xf32, #tpu.memory_space<vmem>>, vector<1x1xf32>,
      %get3A_74 = arith.constant 0 : index
      %get3A_75 = arith.constant 0 : index
      %get3A_76 = vector.load %arg4[%get3A_74, %get3A_75] : memref<1x1024xf32, #tpu.memory_space<vmem>>, vector<1x1024xf32>
      %reduce_sum3A_77 = arith.constant dense<0.000000e+00> : vector<1xf32>
      %reduce_sum3A_78 = vector.multi_reduction <add>, %get3A_76, %reduce_sum3A_77 [1] : vector<1x1024xf32> to vector<1xf32>
      %broadcast_in_dim3A_79 = vector.shape_cast %reduce_sum3A_78 : vector<1xf32> to vector<1x1xf32>
      %div3A = vector.broadcast %broadcast_in_dim3A_79 : vector<1x1xf32> to vector<1x1024xf32>
      %div3A_80 = arith.divf %get3A_76, %div3A : vector<1x1024xf32>
      %add3A_81 = arith.constant 1.000000e-10 : f32
      %add3A_82 = vector.broadcast %add3A_81 : f32 to vector<1x1024xf32>
      %add3A_83 = arith.addf %div3A_80, %add3A_82 : vector<1x1024xf32>
      %log3A = math.log %add3A_83 : vector<1x1024xf32>
      %mul3A_84 = arith.mulf %div3A_80, %log3A : vector<1x1024xf32>
      %reduce_sum3A_85 = arith.constant dense<0.000000e+00> : vector<1xf32>
      %reduce_sum3A_86 = vector.multi_reduction <add>, %mul3A_84, %reduce_sum3A_85 [1] : vector<1x1024xf32> to vector<1xf32>
      %broadcast_in_dim3A_87 = vector.shape_cast %reduce_sum3A_86 : vector<1xf32> to vector<1x1xf32>
      %neg3A = arith.constant 0.000000e+00 : f32
      %neg3A_88 = vector.broadcast %neg3A : f32 to vector<1x1xf32>
      %neg3A_89 = arith.subf %neg3A_88, %broadcast_in_dim3A_87 : vector<1x1xf32>
      %exp3A = math.exp %neg3A_89 : vector<1x1xf32>
      %swap3A_90 = arith.constant 0 : index
      %swap3A_91 = arith.constant 0 : index
      %swap3A_92 = vector.load %arg6[%swap3A_90, %swap3A_91] : memref<1x1xf32, #tpu.memory_space<vmem>>, vector<1x1xf32>
      tpu.vector_store %arg6[%swap3A_90, %swap3A_91], %exp3A {strides = array<i32>} : memref<1x1xf32, #tpu.memory_space<vmem>>, vector<1x1xf32>,
    } else {
    }
    return
  }
  func.func @transform_0(%arg0: i32) -> (i32, i32) {
    %c0_i32 = arith.constant 0 : i32
    %c0_i32_0 = arith.constant 0 : i32
    return %arg0, %c0_i32 : i32, i32
  }
  func.func @transform_1(%arg0: i32) -> (i32, i32) {
    %c0_i32 = arith.constant 0 : i32
    %c0_i32_0 = arith.constant 0 : i32
    %c0_i32_1 = arith.constant 0 : i32
    return %c0_i32, %c0_i32_0 : i32, i32
  }
  func.func @transform_2(%arg0: i32) -> (i32, i32, i32) {
    %c0_i32 = arith.constant 0 : i32
    %c0_i32_0 = arith.constant 0 : i32
    %c0_i32_1 = arith.constant 0 : i32
    return %arg0, %c0_i32, %c0_i32_0 : i32, i32, i32
  }
  func.func @transform_3(%arg0: i32) -> (i32, i32) {
    %c0_i32 = arith.constant 0 : i32
    %c0_i32_0 = arith.constant 0 : i32
    %c0_i32_1 = arith.constant 0 : i32
    return %c0_i32, %c0_i32_0 : i32, i32
  }
  func.func @transform_4(%arg0: i32) -> (i32, i32) {
    %c0_i32 = arith.constant 0 : i32
    %c0_i32_0 = arith.constant 0 : i32
    %c0_i32_1 = arith.constant 0 : i32
    return %c0_i32, %c0_i32_0 : i32, i32
  }
  func.func @transform_5(%arg0: i32) -> (i32, i32) {
    %c0_i32 = arith.constant 0 : i32
    %c0_i32_0 = arith.constant 0 : i32
    %c0_i32_1 = arith.constant 0 : i32
    return %c0_i32, %c0_i32_0 : i32, i32
  }
}

</mosaic_0001>

<sc_bundles>
// kernel: kernel.4.cloned.1.call-start
scs
__scs_entry_jumppad:
0x0: {  	(pc) =	sbr.rel $0x88, $3  }
0x1: {  	(tag) =	ssettag $0x0;
	lr =	simm.s32 $0x1  }
0x2: {  	[smem:$0x3F9F] =	sst lr;
	_ =	strace $0xD0000000  }
0x3: {  	_ = 	snop  }
0x4: {  	_ = 	snop  }
0x5: {  	_ = 	snop  }
0x6: {  	_ = 	snop  }
0x7: {  	_ = 	snop  }
__scs_overlays_trampoline_lowered:
0x8: {  	[smem:$0x3FAE] =	sst s0  }
0x9: {  	[smem:$0x3FAF] =	sst s1  }
0xa: {  	[smem:$0x3FB0] =	sst s2  }
0xb: {  	[smem:$0x3FB1] =	sst s3  }
0xc: {  	[smem:$0x3FB2] =	sst s4  }
0xd: {  	[smem:$0x3FB3] =	sst s5  }
0xe: {  	[smem:$0x3FB4] =	sst s6  }
0xf: {  	[smem:$0x3FB5] =	sst s7  }
0x10: {  	[smem:$0x3FB6] =	sst s8  }
0x11: {  	[smem:$0x3FB7] =	sst s9;
	s0 =	simm.s32 @!p0 $0x0  }
0x12: {  	s1 =	sld [smem:$0x3F9D];
	s0 =	simm.s32 @p0 $0x1  }
0x13: {  	[smem:$0x3FB8] =	sst s0;
	s0 =	simm.s32 @!p1 $0x0  }
0x14: {  	s2 =	sld [smem:$0x3F9C];
	s0 =	simm.s32 @p1 $0x1  }
0x15: {  	[smem:$0x3FB9] =	sst s0;
	s0 =	simm.s32 @!p2 $0x0  }
0x16: {  	s3 =	sld [smem:$0x3FDB];
	s0 =	simm.s32 @p2 $0x1  }
0x17: {  	s4 =	simm.s32 $0x1BF5;
	[smem:$0x3FBB] =	sst s0  }
0x18: {  	s0 =	sld [smem:$0x3F9E];
	_ =	swait.ge [sflag:s4], $0x0  }
0x19: {  	s7 =	sld [smem:$0x3F9F]  }
0x1a: {  	s8 =	sadd.s32 $0xFFFFE003, lr  }
0x1b: {  	s9 =	sadd.s32 $0xFFFFFEF7, lr;
	s5 =	simm.s32 $0xFFFFFFFF;
	p2 =	slt.u32 s8, $0xFFFFF086  }
0x1c: {  	p1 =	slt.u32 s9, $0xF7A;
	s5 =	simm.s32 @!p2 $0x0  }
0x1d: {  	s5 =	simm.s32 @p1 $0x1;
	p0 =	seq.s32 s7, s2  }
0x1e: {  	s7 =	smul.u32 @!p0 $0xF7A, s2;
	p2 =	seq.s32 @!p0 s5, $0x0  }
0x1f: {  	s9 =	smul.u32 $0xF7A, s1;
	s8 =	simm.s32 @!p0 $0x1BF5;
	p2 =	por !p2, p0  }
0x20: {  	[sflag:s8] =	ssyncset.s32 @!p0 $0xFFFFF086;
	s6 =	sadd.s32 @!p0 s3, s7;
	s7 =	simm.s32 @!p0 $0x108  }
0x21: {  	s3 =	sadd.s32 s3, s9;
	s6 =	sadd.s32 @!p0 $0x88, s6;
	s7 =	simm.s32 @p2 $0x1082  }
0x22: {  	[simem:s7], [sflag:s8] =	dma.local @!p0 [hbm:s6], $0xF7A  }
0x23: {  	s9 =	sor.u32 $0xD0000000, s2;
	s6 =	simm.s32 $0x108;
	_ =	swait.ge @!p0 [sflag:s8], $0x0  }
0x24: {  	s3 =	sadd.s32 $0x88, s3;
	s6 =	simm.s32 @!p1 $0x1082;
	[sflag:s4] =	ssyncset.s32 $0xFFFFF086  }
0x25: {  	[simem:s6], [sflag:s4] =	dma.local [hbm:s3], $0xF7A  }
0x26: {  	[smem:$0x3F9F] =	sst s1;
	(tag) =	ssettag s2;
	_ =	strace s9  }
0x27: {  	s1 =	sld [smem:$0x3FAF]  }
0x28: {  	s2 =	sld [smem:$0x3FB0]  }
0x29: {  	s4 =	sld [smem:$0x3FB2]  }
0x2a: {  	p0 =	seq.s32 s5, $0x0;
	s5 =	sld [smem:$0x3FB3]  }
0x2b: {  	s6 =	sld [smem:$0x3FB4]  }
0x2c: {  	s7 =	sld [smem:$0x3FB5]  }
0x2d: {  	s3 =	simm.s32 $0x108;
	s8 =	sld [smem:$0x3FB6]  }
0x2e: {  	s3 =	simm.s32 @!p0 $0x1082;
	s9 =	sld [smem:$0x3FB7]  }
0x2f: {  	lr =	sadd.s32 s0, s3;
	s0 =	sld [smem:$0x3FAE]  }
0x30: {  	s3 =	sld [smem:$0x3FB1]  }
0x31: {  	[smem:$0x3FBA] =	sst s10  }
0x32: {  	s10 =	sld [smem:$0x3FB8];
	_ =	sdelay $0x3  }
0x33: {  	p0 =	seq.s32 s10, $0x1;
	s10 =	sld [smem:$0x3FBA];
	_ =	sdelay $0x3  }
0x34: {  	[smem:$0x3FBA] =	sst s10  }
0x35: {  	s10 =	sld [smem:$0x3FB9];
	_ =	sdelay $0x3  }
0x36: {  	p1 =	seq.s32 s10, $0x1;
	s10 =	sld [smem:$0x3FBA];
	_ =	sdelay $0x3  }
0x37: {  	[smem:$0x3FBA] =	sst s10  }
0x38: {  	s10 =	sld [smem:$0x3FBB]  }
0x39: {  	_ = 	snop;
	(pc) =	sbr.ind lr, $3  }
0x3a: {  	_ = 	snop  }
0x3b: {  	_ = 	snop  }
0x3c: {  	p2 =	seq.s32 s10, $0x1;
	s10 =	sld [smem:$0x3FBA]  }
0x3d: {  	_ =	shalt  }
0x3e: {  	_ =	shalt  }
0x3f: {  	_ =	shalt  }
0x40: {  	_ =	shalt  }
0x41: {  	_ =	shalt  }
0x42: {  	_ =	shalt  }
0x43: {  	_ =	shalt  }
0x44: {  	_ =	shalt  }
0x45: {  	_ =	shalt  }
0x46: {  	_ =	shalt  }
0x47: {  	_ =	shalt  }
0x48: {  	_ =	shalt  }
0x49: {  	_ =	shalt  }
0x4a: {  	_ =	shalt  }
0x4b: {  	_ =	shalt  }
0x4c: {  	_ =	shalt  }
0x4d: {  	_ =	shalt  }
0x4e: {  	_ =	shalt  }
0x4f: {  	_ =	shalt  }
0x50: {  	_ =	shalt  }
0x51: {  	_ =	shalt  }
0x52: {  	_ =	shalt  }
0x53: {  	_ =	shalt  }
0x54: {  	_ =	shalt  }
0x55: {  	_ =	shalt  }
0x56: {  	_ =	shalt  }
0x57: {  	_ =	shalt  }
0x58: {  	_ =	shalt  }
0x59: {  	_ =	shalt  }
0x5a: {  	_ =	shalt  }
0x5b: {  	_ =	shalt  }
0x5c: {  	_ =	shalt  }
0x5d: {  	_ =	shalt  }
0x5e: {  	_ =	shalt  }
0x5f: {  	_ =	shalt  }
0x60: {  	_ =	shalt  }
0x61: {  	_ =	shalt  }
0x62: {  	_ =	shalt  }
0x63: {  	_ =	shalt  }
0x64: {  	_ =	shalt  }
0x65: {  	_ =	shalt  }
0x66: {  	_ =	shalt  }
0x67: {  	_ =	shalt  }
0x68: {  	_ =	shalt  }
0x69: {  	_ =	shalt  }
0x6a: {  	_ =	shalt  }
0x6b: {  	_ =	shalt  }
0x6c: {  	_ =	shalt  }
0x6d: {  	_ =	shalt  }
0x6e: {  	_ =	shalt  }
0x6f: {  	_ =	shalt  }
0x70: {  	_ =	shalt  }
0x71: {  	_ =	shalt  }
0x72: {  	_ =	shalt  }
0x73: {  	_ =	shalt  }
0x74: {  	_ =	shalt  }
0x75: {  	_ =	shalt  }
0x76: {  	_ =	shalt  }
0x77: {  	_ =	shalt  }
0x78: {  	_ =	shalt  }
0x79: {  	_ =	shalt  }
0x7a: {  	_ =	shalt  }
0x7b: {  	_ =	shalt  }
0x7c: {  	_ =	shalt  }
0x7d: {  	_ =	shalt  }
0x7e: {  	_ =	shalt  }
0x7f: {  	_ =	shalt  }
0x80: {  	_ =	shalt  }
0x81: {  	_ =	shalt  }
0x82: {  	_ =	shalt  }
0x83: {  	_ =	shalt  }
0x84: {  	_ =	shalt  }
0x85: {  	_ =	shalt  }
0x86: {  	_ =	shalt  }
0x87: {  	_ =	shalt  }
.Lfunc_end0:
.L_simem_size_0:
called_computation_lowered:
.L_overlay_start_0:
0x88: {  	s2 =	sld [smem:$0x3FD9]  }
0x89: {  	s3 =	sld [smem:$0x3FFE];
	_ =	sdelay $0x1  }
0x8a: {  	s1 =	srdreg.scid  }
0x8b: {  	s0 =	sand.u32 $0x1, s1  }
0x8c: {  	s14 =	sshll.u32 s0, $0xA;
	s2 =	sadd.s32 s3, s2  }
0x8d: {  	s2 =	sadd.s32 s2, s14  }
0x8e: {  	[smem:$0x3FC6] =	sst s2  }
0x8f: {  	_ = 	snop  }
0x90: {  	s2 =	sld [smem:$0x3FD0];
	_ =	sdelay $0x2  }
0x91: {  	s4 =	simm.s32 $0xA;
	s5 =	simm.s32 $0x10;
	s15 =	sld [smem:$0x3FC8]  }
0x92: {  	[smem:s5], [sflag:s4] =	dma.local [hbm:s2], $0x1  }
0x93: {  	_ =	swait.eq [sflag:s4], $0x1  }
0x94: {  	[sflag:s4] =	ssyncset.done $0x0  }
0x95: {  	[sflag:s4] =	ssyncadd.s32 $0xFFFFFFFF  }
0x96: {  	s16 =	sld [smem:$0x11];
	(tm) =	ssettm $0x1  }
0x97: {  	s17 =	sld [smem:$0x3FFB];
	_ =	sdelay $0x3  }
0x98: {  	_ =	strace s17  }
0x99: {  	s4 =	sld [smem:$0x3FFC];
	_ =	sdelay $0x3  }
0x9a: {  	_ =	strace s4  }
0x9b: {  	s4 =	sld [smem:$0x3FFD];
	_ =	sdelay $0x3  }
0x9c: {  	_ =	strace s4  }
0x9d: {  	_ =	strace $0x8FFFFFFF  }
0x9e: {  	s18 =	sld [smem:$0x3FDB];
	_ =	sdelay $0x1  }
0x9f: {  	s19 =	simm.s32 $_scs_section_size  }
0xa0: {  	s6 =	simm.s32 $_size__tile_overlayer_lowered;
	s7 =	simm.s32 $_tile_overlayer_lowered  }
0xa1: {  	s22 =	simm.s32 $0x1BFF;
	s21 =	sshll.u32 s7, $0x1;
	s4 =	sadd.s32 s19, s18  }
0xa2: {  	s8 =	simm.s32 $0x0;
	s20 =	sshll.u32 s6, $0x1;
	s6 =	sadd.s32 s21, s4  }
0xa3: {  	[timem:s8], [sflag:s22] =	dma.local [hbm:s6], s20  }
0xa4: {  	_ =	swait.ge [sflag:s22], s20  }
0xa5: {  	s5 =	ssub.s32 $0x0, s20;
	[sflag:s22] =	ssyncset.done $0x0  }
0xa6: {  	[sflag:s22] =	ssyncadd.s32 s5;
	_ =	sdelay $0x1  }
0xa7: {  	s23 =	simm.s32 $0x1B8B  }
0xa8: {  	_ =	swait.ge [sflag:s23], $0x1  }
0xa9: {  	[sflag:s23] =	ssyncset.done $0x0  }
0xaa: {  	s25 =	simm.s32 $0x1B8E;
	s24 =	sld [smem:$0x3FFE];
	[sflag:s23] =	ssyncadd.s32 $0xFFFFFFFF  }
0xab: {  	s26 =	simm.s32 $execute0_lowered;
	[smem:$0x3FD2] =	sst s25  }
0xac: {  	s6 =	sshll.u32 s26, $0x1;
	_ =	strace $0x80000046;
	[dreg:$0x1] =	wrdreg $0xFFFFFFFF  }
0xad: {  	s28 =	simm.s32 $_size_execute0_lowered;
	s4 =	sadd.s32 s4, s6;
	[dreg:$0x0] =	wrdreg $0x0  }
0xae: {  	s6 =	sshll.u32 s28, $0x1;
	[dreg:$0x2] =	wrdreg s4  }
0xaf: {  	[dreg:$0x3] =	wrdreg s6  }
0xb0: {  	[dreg:$0x4] =	wrdreg $0xC0  }
0xb1: {  	_ =	task [dreg:s8], $0x5FFFF  }
0xb2: {  	[dreg:$0x1] =	wrdreg $0xFFFFFFFF  }
0xb3: {  	[dreg:$0x0] =	wrdreg $0x60  }
0xb4: {  	[dreg:$0x2] =	wrdreg s15  }
0xb5: {  	[dreg:$0x3] =	wrdreg s24  }
0xb6: {  	[dreg:$0x4] =	wrdreg s16  }
0xb7: {  	[dreg:$0x5] =	wrdreg $0x9  }
0xb8: {  	_ =	task.clear_ibuf [dreg:s8], $0x6FFFF;
	_ =	strace $0x90000046  }
0xb9: {  	s29 =	simm.s32 $0x9;
	_ =	strace $0x80000048  }
0xba: {  	_ =	swait.ge [sflag:s29], $0x1  }
0xbb: {  	[sflag:s29] =	ssyncadd.s32 $0xFFFFFFFF  }
0xbc: {  	_ =	strace $0x90000048  }
0xbd: {  	_ =	sfence  }
0xbe: {  	s30 =	sld [smem:$0x0];
	_ =	sdelay $0x2  }
0xbf: {  	s31 =	sshll.u32 s1, $0xD;
	s1 =	sshrl.u32 s1, $0x2  }
0xc0: {  	s3 =	sand.u32 $0x4000, s31;
	s1 =	sadd.s32 s1, s30  }
0xc1: {  	s0 =	sor.u32 s3, s0;
	s1 =	sshll.u32 s1, $0x11  }
0xc2: {  	s0 =	sor.u32 s1, s0  }
0xc3: {  	s0 =	sadd.s32 $0x8F2B, s0  }
0xc4: {  	[sflag:s0] =	ssyncadd.remote.s32 $0x1  }
0xc5: {  	_ =	sfence.sel $0xFFFF  }
0xc6: {  	[dreg:$0x0] =	wrdreg $0xFFFFFFFF;
	(pc) =	sbr.abs _section_cstart, $3  }
0xc7: {  	[dreg:$0x1] =	wrdreg $0xFFFFFFFF  }
0xc8: {  	_ =	task.clear_ibuf [dreg:s8], $0x2FFFF;
	_ =	strace $0x9FFFFFFF  }
0xc9: {  	(tm) =	ssettm $0x7FFFFFFF  }
tec
execute0_lowered:
.L_overlay_start_1:
0x0: {  	(tag) =	ssettag $0x1  }
0x1: {  	s1 =	rddreg [dreg:$0x0]  }
0x2: {  	s0 =	rddreg [dreg:$0x1]  }
0x3: {  	s2 =	rddreg [dreg:$0x2];
	s4 =	srdreg.scid;
	s3 =	simm.s32 $0x0  }
0x4: {  	s5 =	stileid.u32;
	s12 =	simm.s32 $0x1;
	s14 =	simm.s32 $0x900  }
0x5: {  	s15 =	simm.s32 $0x1100;
	s16 =	simm.s32 $0x1900;
	s17 =	simm.s32 $0x2100  }
0x6: {  	s18 =	simm.s32 $0x2900;
	s19 =	simm.s32 $0x3100;
	s20 =	simm.s32 $0x3900  }
0x7: {  	s21 =	simm.s32 $0x4100;
	s22 =	simm.s32 $0x4900;
	s28 =	simm.s32 $0x7100  }
0x8: {  	s29 =	simm.s32 $0x7900;
	s30 =	simm.s32 $0x8100;
	s31 =	simm.s32 $0x8900  }
0x9: {  	s9 =	simm.s32 $0xB100;
	s10 =	simm.s32 $0xB900;
	s11 =	simm.s32 $0xC100  }
0xa: {  	s4 =	sand.u32 $0x1, s4;
	[smem:$0x7FF] =	sst s3;
	s5 =	sshll.u32 s5, $0xA  }
0xb: {  	s0 =	sadd.s32 $0xA00, s0;
	s6 =	sshll.u32 s4, $0x9;
	s4 =	ssub.s32 $0x2, s4  }
0xc: {  	_ =	strace $0x80000047;
	s5 =	sor.u32 s6, s5;
	s23 =	sshrl.u32 s4, $0x1  }
0xd: {  	s6 =	simm.s32 $0xC900;
	s7 =	sshrl.u32 s5, $0x3;
	s8 =	sshll.u32 s5, $0x5  }
0xe: {  	s5 =	sor.u32 $0x100, s5;
	s4 =	ssub.s32 s4, s23;
	s23 =	simm.s32 $0x5100  }
0xf: {  	s7 =	sadd.s32 s0, s7;
	s24 =	sadd.s32 s2, s8;
	s25 =	sshrl.u32 s5, $0x3  }
0x10: {  	s5 =	sshll.u32 s5, $0x5;
	s4 =	smax.u32 s4, $0x1;
	[dreg:$0x4] =	wrdreg s7  }
0x11: {  	s8 =	simm.s32 $0xA900;
	[dreg:$0x5] =	wrdreg s24;
	s0 =	sadd.s32 s0, s25  }
0x12: {  	v2 =	vlaneseq.u32;
	s26 =	sadd.s32 s2, s5;
	s5 =	simm.s32 $0x2;
	s24 =	simm.s32 $0x5900  }
0x13: {  	vm0 =	vmmov $0xffff;
	v1 =	vshrl.u32 v2, $0x3;
	s25 =	simm.s32 $0x6100;
	s2 =	simm.s32 $0x9900;
	[dreg:$0x6] =	wrdreg s0  }
0x14: {  	v0 =	vand.u32 $0x7, v2;
	v2 =	vor.u32 $0x8, v2;
	v1 =	vmul.u32 $0x8, v1;
	s7 =	simm.s32 $0xA100;
	[dreg:$0x7] =	wrdreg s26;
	s26 =	simm.s32 $0x6900  }
.LBB2_1:
0x15: {  	s13 =	rddreg [dreg:$0x4]  }
0x16: {  	[tilespmem:s3], [sflag:$0x2] =	stream.linear.gather [hbm4b:s13+s3], $0x100, $0x38;
	[tilespmem:$0x10100] =	vst v63  }
0x17: {  	_ =	swait.ge [sflag:s5], $0x100  }
0x18: {  	[sflag:s5] =	ssyncset.done $0x0  }
0x19: {  	[sflag:s5] =	ssyncadd.s32 $0xFFFFFF00  }
0x1a: {  	v3 =	vld [tilespmem:$0x0];
	_ =	sdelay $0x4  }
0x1b: {  	v4 =	vshll.u32 v3, $0x1  }
0x1c: {  	v3 =	vand.u32 $0x7, v3;
	v4 =	vand.u32 $0xFFFFFFF0, v4  }
0x1d: {  	v3 =	vor.u32 v3, v4  }
0x1e: {  	v4 =	vperm.xlane v3, v0;
	_ =	sdelay $0x1  }
0x1f: {  	v3 =	vperm.xlane v3, v2;
	v4 =	vadd.s32 v1, v4;
	_ =	sdelay $0x1  }
0x20: {  	v3 =	vadd.s32 v1, v3;
	_ =	sdelay $0x1  }
0x21: {  	s0 =	simm.s32 $0x100  }
0x22: {  	[tilespmem:s0], [sflag:$0x1] =	stream.indirect_vreg.gather [hbm4b:s1+s3], $0x80, v4, vm0, $0xb8;
	[tilespmem:$0x10100] =	vst v63  }
0x23: {  	_ = 	snop  }
0x24: {  	[tilespmem:s14], [sflag:$0x1] =	stream.indirect_vreg.gather [hbm4b:s1+s3], $0x80, v3, vm0, $0xb8;
	[tilespmem:$0x10100] =	vst v63  }
0x25: {  	v3 =	vld [tilespmem:$0x10];
	_ =	sdelay $0x4  }
0x26: {  	v33 =	vshll.u32 v3, $0x1  }
0x27: {  	v3 =	vand.u32 $0x7, v3;
	v4 =	vand.u32 $0xFFFFFFF0, v33  }
0x28: {  	v3 =	vor.u32 v3, v4  }
0x29: {  	v4 =	vperm.xlane v3, v0;
	_ =	sdelay $0x1  }
0x2a: {  	v3 =	vperm.xlane v3, v2;
	v4 =	vadd.s32 v1, v4;
	_ =	sdelay $0x1  }
0x2b: {  	v3 =	vadd.s32 v1, v3;
	_ =	sdelay $0x2  }
0x2c: {  	[tilespmem:s15], [sflag:$0x1] =	stream.indirect_vreg.gather [hbm4b:s1+s3], $0x80, v4, vm0, $0xb8;
	[tilespmem:$0x10100] =	vst v63  }
0x2d: {  	_ = 	snop  }
0x2e: {  	[tilespmem:s16], [sflag:$0x1] =	stream.indirect_vreg.gather [hbm4b:s1+s3], $0x80, v3, vm0, $0xb8;
	[tilespmem:$0x10100] =	vst v63  }
0x2f: {  	v3 =	vld [tilespmem:$0x20];
	_ =	sdelay $0x4  }
0x30: {  	v34 =	vshll.u32 v3, $0x1  }
0x31: {  	v3 =	vand.u32 $0x7, v3;
	v4 =	vand.u32 $0xFFFFFFF0, v34  }
0x32: {  	v3 =	vor.u32 v3, v4  }
0x33: {  	v4 =	vperm.xlane v3, v0;
	_ =	sdelay $0x1  }
0x34: {  	v3 =	vperm.xlane v3, v2;
	v4 =	vadd.s32 v1, v4;
	_ =	sdelay $0x1  }
0x35: {  	v3 =	vadd.s32 v1, v3;
	_ =	sdelay $0x2  }
0x36: {  	[tilespmem:s17], [sflag:$0x1] =	stream.indirect_vreg.gather [hbm4b:s1+s3], $0x80, v4, vm0, $0xb8;
	[tilespmem:$0x10100] =	vst v63  }
0x37: {  	_ = 	snop  }
0x38: {  	[tilespmem:s18], [sflag:$0x1] =	stream.indirect_vreg.gather [hbm4b:s1+s3], $0x80, v3, vm0, $0xb8;
	[tilespmem:$0x10100] =	vst v63  }
0x39: {  	v3 =	vld [tilespmem:$0x30];
	_ =	sdelay $0x4  }
0x3a: {  	v35 =	vshll.u32 v3, $0x1  }
0x3b: {  	v3 =	vand.u32 $0x7, v3;
	v4 =	vand.u32 $0xFFFFFFF0, v35  }
0x3c: {  	v3 =	vor.u32 v3, v4  }
0x3d: {  	v4 =	vperm.xlane v3, v0;
	_ =	sdelay $0x1  }
0x3e: {  	v3 =	vperm.xlane v3, v2;
	v4 =	vadd.s32 v1, v4;
	_ =	sdelay $0x1  }
0x3f: {  	v3 =	vadd.s32 v1, v3;
	_ =	sdelay $0x2  }
0x40: {  	[tilespmem:s19], [sflag:$0x1] =	stream.indirect_vreg.gather [hbm4b:s1+s3], $0x80, v4, vm0, $0xb8;
	[tilespmem:$0x10100] =	vst v63  }
0x41: {  	_ = 	snop  }
0x42: {  	[tilespmem:s20], [sflag:$0x1] =	stream.indirect_vreg.gather [hbm4b:s1+s3], $0x80, v3, vm0, $0xb8;
	[tilespmem:$0x10100] =	vst v63  }
0x43: {  	v3 =	vld [tilespmem:$0x40];
	_ =	sdelay $0x4  }
0x44: {  	v36 =	vshll.u32 v3, $0x1  }
0x45: {  	v3 =	vand.u32 $0x7, v3;
	v4 =	vand.u32 $0xFFFFFFF0, v36  }
0x46: {  	v3 =	vor.u32 v3, v4  }
0x47: {  	v4 =	vperm.xlane v3, v0;
	_ =	sdelay $0x1  }
0x48: {  	v3 =	vperm.xlane v3, v2;
	v4 =	vadd.s32 v1, v4;
	_ =	sdelay $0x1  }
0x49: {  	v3 =	vadd.s32 v1, v3;
	_ =	sdelay $0x2  }
0x4a: {  	[tilespmem:s21], [sflag:$0x1] =	stream.indirect_vreg.gather [hbm4b:s1+s3], $0x80, v4, vm0, $0xb8;
	[tilespmem:$0x10100] =	vst v63  }
0x4b: {  	_ = 	snop  }
0x4c: {  	[tilespmem:s22], [sflag:$0x1] =	stream.indirect_vreg.gather [hbm4b:s1+s3], $0x80, v3, vm0, $0xb8;
	[tilespmem:$0x10100] =	vst v63  }
0x4d: {  	v3 =	vld [tilespmem:$0x50];
	_ =	sdelay $0x4  }
0x4e: {  	v37 =	vshll.u32 v3, $0x1  }
0x4f: {  	v3 =	vand.u32 $0x7, v3;
	v4 =	vand.u32 $0xFFFFFFF0, v37  }
0x50: {  	v3 =	vor.u32 v3, v4  }
0x51: {  	v4 =	vperm.xlane v3, v0;
	_ =	sdelay $0x1  }
0x52: {  	v3 =	vperm.xlane v3, v2;
	v4 =	vadd.s32 v1, v4;
	_ =	sdelay $0x1  }
0x53: {  	v3 =	vadd.s32 v1, v3;
	_ =	sdelay $0x2  }
0x54: {  	[tilespmem:s23], [sflag:$0x1] =	stream.indirect_vreg.gather [hbm4b:s1+s3], $0x80, v4, vm0, $0xb8;
	[tilespmem:$0x10100] =	vst v63  }
0x55: {  	_ = 	snop  }
0x56: {  	[tilespmem:s24], [sflag:$0x1] =	stream.indirect_vreg.gather [hbm4b:s1+s3], $0x80, v3, vm0, $0xb8;
	[tilespmem:$0x10100] =	vst v63  }
0x57: {  	v3 =	vld [tilespmem:$0x60];
	_ =	sdelay $0x4  }
0x58: {  	v38 =	vshll.u32 v3, $0x1  }
0x59: {  	v3 =	vand.u32 $0x7, v3;
	v4 =	vand.u32 $0xFFFFFFF0, v38  }
0x5a: {  	v3 =	vor.u32 v3, v4  }
0x5b: {  	v4 =	vperm.xlane v3, v0;
	_ =	sdelay $0x1  }
0x5c: {  	v3 =	vperm.xlane v3, v2;
	v4 =	vadd.s32 v1, v4;
	_ =	sdelay $0x1  }
0x5d: {  	v3 =	vadd.s32 v1, v3;
	_ =	sdelay $0x2  }
0x5e: {  	[tilespmem:s25], [sflag:$0x1] =	stream.indirect_vreg.gather [hbm4b:s1+s3], $0x80, v4, vm0, $0xb8;
	[tilespmem:$0x10100] =	vst v63  }
0x5f: {  	_ = 	snop  }
0x60: {  	[tilespmem:s26], [sflag:$0x1] =	stream.indirect_vreg.gather [hbm4b:s1+s3], $0x80, v3, vm0, $0xb8;
	[tilespmem:$0x10100] =	vst v63  }
0x61: {  	v3 =	vld [tilespmem:$0x70];
	_ =	sdelay $0x4  }
0x62: {  	v39 =	vshll.u32 v3, $0x1  }
0x63: {  	v3 =	vand.u32 $0x7, v3;
	v4 =	vand.u32 $0xFFFFFFF0, v39  }
0x64: {  	v3 =	vor.u32 v3, v4  }
0x65: {  	v4 =	vperm.xlane v3, v0;
	_ =	sdelay $0x1  }
0x66: {  	v3 =	vperm.xlane v3, v2;
	v4 =	vadd.s32 v1, v4;
	_ =	sdelay $0x1  }
0x67: {  	v3 =	vadd.s32 v1, v3;
	_ =	sdelay $0x2  }
0x68: {  	[tilespmem:s28], [sflag:$0x1] =	stream.indirect_vreg.gather [hbm4b:s1+s3], $0x80, v4, vm0, $0xb8;
	[tilespmem:$0x10100] =	vst v63  }
0x69: {  	_ = 	snop  }
0x6a: {  	[tilespmem:s29], [sflag:$0x1] =	stream.indirect_vreg.gather [hbm4b:s1+s3], $0x80, v3, vm0, $0xb8;
	[tilespmem:$0x10100] =	vst v63  }
0x6b: {  	v3 =	vld [tilespmem:$0x80];
	_ =	sdelay $0x4  }
0x6c: {  	v40 =	vshll.u32 v3, $0x1  }
0x6d: {  	v3 =	vand.u32 $0x7, v3;
	v4 =	vand.u32 $0xFFFFFFF0, v40  }
0x6e: {  	v3 =	vor.u32 v3, v4  }
0x6f: {  	v4 =	vperm.xlane v3, v0;
	_ =	sdelay $0x1  }
0x70: {  	v3 =	vperm.xlane v3, v2;
	v4 =	vadd.s32 v1, v4;
	_ =	sdelay $0x1  }
0x71: {  	v3 =	vadd.s32 v1, v3;
	_ =	sdelay $0x2  }
0x72: {  	[tilespmem:s30], [sflag:$0x1] =	stream.indirect_vreg.gather [hbm4b:s1+s3], $0x80, v4, vm0, $0xb8;
	[tilespmem:$0x10100] =	vst v63  }
0x73: {  	_ = 	snop  }
0x74: {  	[tilespmem:s31], [sflag:$0x1] =	stream.indirect_vreg.gather [hbm4b:s1+s3], $0x80, v3, vm0, $0xb8;
	[tilespmem:$0x10100] =	vst v63  }
0x75: {  	v3 =	vld [tilespmem:$0x90];
	_ =	sdelay $0x4  }
0x76: {  	v41 =	vshll.u32 v3, $0x1  }
0x77: {  	v3 =	vand.u32 $0x7, v3;
	v4 =	vand.u32 $0xFFFFFFF0, v41  }
0x78: {  	v3 =	vor.u32 v3, v4  }
0x79: {  	v4 =	vperm.xlane v3, v0;
	_ =	sdelay $0x1  }
0x7a: {  	v3 =	vperm.xlane v3, v2;
	v4 =	vadd.s32 v1, v4;
	_ =	sdelay $0x1  }
0x7b: {  	v3 =	vadd.s32 v1, v3;
	_ =	sdelay $0x1  }
0x7c: {  	s13 =	simm.s32 $0x9100  }
0x7d: {  	[tilespmem:s13], [sflag:$0x1] =	stream.indirect_vreg.gather [hbm4b:s1+s3], $0x80, v4, vm0, $0xb8;
	[tilespmem:$0x10100] =	vst v63  }
0x7e: {  	_ = 	snop  }
0x7f: {  	[tilespmem:s2], [sflag:$0x1] =	stream.indirect_vreg.gather [hbm4b:s1+s3], $0x80, v3, vm0, $0xb8;
	[tilespmem:$0x10100] =	vst v63  }
0x80: {  	v3 =	vld [tilespmem:$0xA0];
	_ =	sdelay $0x4  }
0x81: {  	v42 =	vshll.u32 v3, $0x1  }
0x82: {  	v3 =	vand.u32 $0x7, v3;
	v4 =	vand.u32 $0xFFFFFFF0, v42  }
0x83: {  	v3 =	vor.u32 v3, v4  }
0x84: {  	v4 =	vperm.xlane v3, v0;
	_ =	sdelay $0x1  }
0x85: {  	v3 =	vperm.xlane v3, v2;
	v4 =	vadd.s32 v1, v4;
	_ =	sdelay $0x1  }
0x86: {  	v3 =	vadd.s32 v1, v3;
	_ =	sdelay $0x2  }
0x87: {  	[tilespmem:s7], [sflag:$0x1] =	stream.indirect_vreg.gather [hbm4b:s1+s3], $0x80, v4, vm0, $0xb8;
	[tilespmem:$0x10100] =	vst v63  }
0x88: {  	_ = 	snop  }
0x89: {  	[tilespmem:s8], [sflag:$0x1] =	stream.indirect_vreg.gather [hbm4b:s1+s3], $0x80, v3, vm0, $0xb8;
	[tilespmem:$0x10100] =	vst v63  }
0x8a: {  	v3 =	vld [tilespmem:$0xB0];
	_ =	sdelay $0x4  }
0x8b: {  	v43 =	vshll.u32 v3, $0x1  }
0x8c: {  	v3 =	vand.u32 $0x7, v3;
	v4 =	vand.u32 $0xFFFFFFF0, v43  }
0x8d: {  	v3 =	vor.u32 v3, v4  }
0x8e: {  	v4 =	vperm.xlane v3, v0;
	_ =	sdelay $0x1  }
0x8f: {  	v3 =	vperm.xlane v3, v2;
	v4 =	vadd.s32 v1, v4;
	_ =	sdelay $0x1  }
0x90: {  	v3 =	vadd.s32 v1, v3;
	_ =	sdelay $0x2  }
0x91: {  	[tilespmem:s9], [sflag:$0x1] =	stream.indirect_vreg.gather [hbm4b:s1+s3], $0x80, v4, vm0, $0xb8;
	[tilespmem:$0x10100] =	vst v63  }
0x92: {  	_ = 	snop  }
0x93: {  	[tilespmem:s10], [sflag:$0x1] =	stream.indirect_vreg.gather [hbm4b:s1+s3], $0x80, v3, vm0, $0xb8;
	[tilespmem:$0x10100] =	vst v63  }
0x94: {  	v3 =	vld [tilespmem:$0xC0];
	_ =	sdelay $0x4  }
0x95: {  	v44 =	vshll.u32 v3, $0x1  }
0x96: {  	v3 =	vand.u32 $0x7, v3;
	v4 =	vand.u32 $0xFFFFFFF0, v44  }
0x97: {  	v3 =	vor.u32 v3, v4  }
0x98: {  	v4 =	vperm.xlane v3, v0;
	_ =	sdelay $0x1  }
0x99: {  	v3 =	vperm.xlane v3, v2;
	v4 =	vadd.s32 v1, v4;
	_ =	sdelay $0x1  }
0x9a: {  	v3 =	vadd.s32 v1, v3;
	_ =	sdelay $0x2  }
0x9b: {  	[tilespmem:s11], [sflag:$0x1] =	stream.indirect_vreg.gather [hbm4b:s1+s3], $0x80, v4, vm0, $0xb8;
	[tilespmem:$0x10100] =	vst v63  }
0x9c: {  	_ = 	snop  }
0x9d: {  	[tilespmem:s6], [sflag:$0x1] =	stream.indirect_vreg.gather [hbm4b:s1+s3], $0x80, v3, vm0, $0xb8;
	[tilespmem:$0x10100] =	vst v63  }
0x9e: {  	v3 =	vld [tilespmem:$0xD0];
	_ =	sdelay $0x4  }
0x9f: {  	v45 =	vshll.u32 v3, $0x1  }
0xa0: {  	v3 =	vand.u32 $0x7, v3;
	v4 =	vand.u32 $0xFFFFFFF0, v45  }
0xa1: {  	v3 =	vor.u32 v3, v4  }
0xa2: {  	v4 =	vperm.xlane v3, v0;
	_ =	sdelay $0x1  }
0xa3: {  	v3 =	vperm.xlane v3, v2;
	v4 =	vadd.s32 v1, v4;
	_ =	sdelay $0x1  }
0xa4: {  	v3 =	vadd.s32 v1, v3;
	_ =	sdelay $0x1  }
0xa5: {  	s13 =	simm.s32 $0xD100  }
0xa6: {  	[tilespmem:s13], [sflag:$0x1] =	stream.indirect_vreg.gather [hbm4b:s1+s3], $0x80, v4, vm0, $0xb8;
	[tilespmem:$0x10100] =	vst v63  }
0xa7: {  	s13 =	simm.s32 $0xD900  }
0xa8: {  	[tilespmem:s13], [sflag:$0x1] =	stream.indirect_vreg.gather [hbm4b:s1+s3], $0x80, v3, vm0, $0xb8;
	[tilespmem:$0x10100] =	vst v63  }
0xa9: {  	v3 =	vld [tilespmem:$0xE0];
	_ =	sdelay $0x4  }
0xaa: {  	v46 =	vshll.u32 v3, $0x1  }
0xab: {  	v3 =	vand.u32 $0x7, v3;
	v4 =	vand.u32 $0xFFFFFFF0, v46  }
0xac: {  	v3 =	vor.u32 v3, v4  }
0xad: {  	v4 =	vperm.xlane v3, v0;
	_ =	sdelay $0x1  }
0xae: {  	v3 =	vperm.xlane v3, v2;
	v4 =	vadd.s32 v1, v4;
	_ =	sdelay $0x1  }
0xaf: {  	v3 =	vadd.s32 v1, v3;
	_ =	sdelay $0x1  }
0xb0: {  	s13 =	simm.s32 $0xE100  }
0xb1: {  	[tilespmem:s13], [sflag:$0x1] =	stream.indirect_vreg.gather [hbm4b:s1+s3], $0x80, v4, vm0, $0xb8;
	[tilespmem:$0x10100] =	vst v63  }
0xb2: {  	s13 =	simm.s32 $0xE900  }
0xb3: {  	[tilespmem:s13], [sflag:$0x1] =	stream.indirect_vreg.gather [hbm4b:s1+s3], $0x80, v3, vm0, $0xb8;
	[tilespmem:$0x10100] =	vst v63  }
0xb4: {  	v3 =	vld [tilespmem:$0xF0];
	_ =	sdelay $0x4  }
0xb5: {  	v47 =	vshll.u32 v3, $0x1  }
0xb6: {  	v3 =	vand.u32 $0x7, v3;
	v4 =	vand.u32 $0xFFFFFFF0, v47  }
0xb7: {  	v3 =	vor.u32 v3, v4  }
0xb8: {  	v4 =	vperm.xlane v3, v0;
	_ =	sdelay $0x1  }
0xb9: {  	v3 =	vperm.xlane v3, v2;
	v4 =	vadd.s32 v1, v4;
	_ =	sdelay $0x1  }
0xba: {  	v3 =	vadd.s32 v1, v3;
	_ =	sdelay $0x1  }
0xbb: {  	s13 =	simm.s32 $0xF100  }
0xbc: {  	[tilespmem:s13], [sflag:$0x1] =	stream.indirect_vreg.gather [hbm4b:s1+s3], $0x80, v4, vm0, $0xb8;
	[tilespmem:$0x10100] =	vst v63  }
0xbd: {  	s13 =	simm.s32 $0xF900  }
0xbe: {  	[tilespmem:s13], [sflag:$0x1] =	stream.indirect_vreg.gather [hbm4b:s1+s3], $0x80, v3, vm0, $0xb8;
	[tilespmem:$0x10100] =	vst v63  }
0xbf: {  	_ =	swait.ge [sflag:s12], $0x10000  }
0xc0: {  	[sflag:s12] =	ssyncset.done $0x0  }
0xc1: {  	s0 =	simm.s32 $0x100;
	s13 =	rddreg [dreg:$0x5];
	[sflag:s12] =	ssyncadd.s32 $0xFFFF0000  }
0xc2: {  	[hbm4b:s13+s3] =	stream.linear.scatter [tilespmem:s0], [sflag:$0x2], $0x10000, $0x38;
	[tilespmem:$0x10100] =	vst v63  }
0xc3: {  	_ =	swait.ge [sflag:s5], $0x10000  }
0xc4: {  	[sflag:s5] =	ssyncset.done $0x0  }
0xc5: {  	s13 =	rddreg [dreg:$0x6];
	[sflag:s5] =	ssyncadd.s32 $0xFFFF0000  }
0xc6: {  	[tilespmem:s3], [sflag:$0x2] =	stream.linear.gather [hbm4b:s13+s3], $0x100, $0x38;
	[tilespmem:$0x10100] =	vst v63  }
0xc7: {  	_ =	swait.ge [sflag:s5], $0x100  }
0xc8: {  	[sflag:s5] =	ssyncset.done $0x0  }
0xc9: {  	[sflag:s5] =	ssyncadd.s32 $0xFFFFFF00  }
0xca: {  	v3 =	vld [tilespmem:$0x0];
	_ =	sdelay $0x4  }
0xcb: {  	v48 =	vshll.u32 v3, $0x1  }
0xcc: {  	v3 =	vand.u32 $0x7, v3;
	v4 =	vand.u32 $0xFFFFFFF0, v48  }
0xcd: {  	v3 =	vor.u32 v3, v4  }
0xce: {  	v4 =	vperm.xlane v3, v0;
	_ =	sdelay $0x1  }
0xcf: {  	v3 =	vperm.xlane v3, v2;
	v4 =	vadd.s32 v1, v4;
	_ =	sdelay $0x1  }
0xd0: {  	v3 =	vadd.s32 v1, v3;
	_ =	sdelay $0x2  }
0xd1: {  	[tilespmem:s0], [sflag:$0x1] =	stream.indirect_vreg.gather [hbm4b:s1+s3], $0x80, v4, vm0, $0xb8;
	[tilespmem:$0x10100] =	vst v63  }
0xd2: {  	_ = 	snop  }
0xd3: {  	[tilespmem:s14], [sflag:$0x1] =	stream.indirect_vreg.gather [hbm4b:s1+s3], $0x80, v3, vm0, $0xb8;
	[tilespmem:$0x10100] =	vst v63  }
0xd4: {  	v3 =	vld [tilespmem:$0x10];
	_ =	sdelay $0x4  }
0xd5: {  	v49 =	vshll.u32 v3, $0x1  }
0xd6: {  	v3 =	vand.u32 $0x7, v3;
	v4 =	vand.u32 $0xFFFFFFF0, v49  }
0xd7: {  	v3 =	vor.u32 v3, v4  }
0xd8: {  	v4 =	vperm.xlane v3, v0;
	_ =	sdelay $0x1  }
0xd9: {  	v3 =	vperm.xlane v3, v2;
	v4 =	vadd.s32 v1, v4;
	_ =	sdelay $0x1  }
0xda: {  	v3 =	vadd.s32 v1, v3;
	_ =	sdelay $0x2  }
0xdb: {  	[tilespmem:s15], [sflag:$0x1] =	stream.indirect_vreg.gather [hbm4b:s1+s3], $0x80, v4, vm0, $0xb8;
	[tilespmem:$0x10100] =	vst v63  }
0xdc: {  	_ = 	snop  }
0xdd: {  	[tilespmem:s16], [sflag:$0x1] =	stream.indirect_vreg.gather [hbm4b:s1+s3], $0x80, v3, vm0, $0xb8;
	[tilespmem:$0x10100] =	vst v63  }
0xde: {  	v3 =	vld [tilespmem:$0x20];
	_ =	sdelay $0x4  }
0xdf: {  	v50 =	vshll.u32 v3, $0x1  }
0xe0: {  	v3 =	vand.u32 $0x7, v3;
	v4 =	vand.u32 $0xFFFFFFF0, v50  }
0xe1: {  	v3 =	vor.u32 v3, v4  }
0xe2: {  	v4 =	vperm.xlane v3, v0;
	_ =	sdelay $0x1  }
0xe3: {  	v3 =	vperm.xlane v3, v2;
	v4 =	vadd.s32 v1, v4;
	_ =	sdelay $0x1  }
0xe4: {  	v3 =	vadd.s32 v1, v3;
	_ =	sdelay $0x2  }
0xe5: {  	[tilespmem:s17], [sflag:$0x1] =	stream.indirect_vreg.gather [hbm4b:s1+s3], $0x80, v4, vm0, $0xb8;
	[tilespmem:$0x10100] =	vst v63  }
0xe6: {  	_ = 	snop  }
0xe7: {  	[tilespmem:s18], [sflag:$0x1] =	stream.indirect_vreg.gather [hbm4b:s1+s3], $0x80, v3, vm0, $0xb8;
	[tilespmem:$0x10100] =	vst v63  }
0xe8: {  	v3 =	vld [tilespmem:$0x30];
	_ =	sdelay $0x4  }
0xe9: {  	v51 =	vshll.u32 v3, $0x1  }
0xea: {  	v3 =	vand.u32 $0x7, v3;
	v4 =	vand.u32 $0xFFFFFFF0, v51  }
0xeb: {  	v3 =	vor.u32 v3, v4  }
0xec: {  	v4 =	vperm.xlane v3, v0;
	_ =	sdelay $0x1  }
0xed: {  	v3 =	vperm.xlane v3, v2;
	v4 =	vadd.s32 v1, v4;
	_ =	sdelay $0x1  }
0xee: {  	v3 =	vadd.s32 v1, v3;
	_ =	sdelay $0x2  }
0xef: {  	[tilespmem:s19], [sflag:$0x1] =	stream.indirect_vreg.gather [hbm4b:s1+s3], $0x80, v4, vm0, $0xb8;
	[tilespmem:$0x10100] =	vst v63  }
0xf0: {  	_ = 	snop  }
0xf1: {  	[tilespmem:s20], [sflag:$0x1] =	stream.indirect_vreg.gather [hbm4b:s1+s3], $0x80, v3, vm0, $0xb8;
	[tilespmem:$0x10100] =	vst v63  }
0xf2: {  	v3 =	vld [tilespmem:$0x40];
	_ =	sdelay $0x4  }
0xf3: {  	v52 =	vshll.u32 v3, $0x1  }
0xf4: {  	v3 =	vand.u32 $0x7, v3;
	v4 =	vand.u32 $0xFFFFFFF0, v52  }
0xf5: {  	v3 =	vor.u32 v3, v4  }
0xf6: {  	v4 =	vperm.xlane v3, v0;
	_ =	sdelay $0x1  }
0xf7: {  	v3 =	vperm.xlane v3, v2;
	v4 =	vadd.s32 v1, v4;
	_ =	sdelay $0x1  }
0xf8: {  	v3 =	vadd.s32 v1, v3;
	_ =	sdelay $0x2  }
0xf9: {  	[tilespmem:s21], [sflag:$0x1] =	stream.indirect_vreg.gather [hbm4b:s1+s3], $0x80, v4, vm0, $0xb8;
	[tilespmem:$0x10100] =	vst v63  }
0xfa: {  	_ = 	snop  }
0xfb: {  	[tilespmem:s22], [sflag:$0x1] =	stream.indirect_vreg.gather [hbm4b:s1+s3], $0x80, v3, vm0, $0xb8;
	[tilespmem:$0x10100] =	vst v63  }
0xfc: {  	v3 =	vld [tilespmem:$0x50];
	_ =	sdelay $0x4  }
0xfd: {  	v53 =	vshll.u32 v3, $0x1  }
0xfe: {  	v3 =	vand.u32 $0x7, v3;
	v4 =	vand.u32 $0xFFFFFFF0, v53  }
0xff: {  	v3 =	vor.u32 v3, v4  }
0x100: {  	v4 =	vperm.xlane v3, v0;
	_ =	sdelay $0x1  }
0x101: {  	v3 =	vperm.xlane v3, v2;
	v4 =	vadd.s32 v1, v4;
	_ =	sdelay $0x1  }
0x102: {  	v3 =	vadd.s32 v1, v3;
	_ =	sdelay $0x2  }
0x103: {  	[tilespmem:s23], [sflag:$0x1] =	stream.indirect_vreg.gather [hbm4b:s1+s3], $0x80, v4, vm0, $0xb8;
	[tilespmem:$0x10100] =	vst v63  }
0x104: {  	_ = 	snop  }
0x105: {  	[tilespmem:s24], [sflag:$0x1] =	stream.indirect_vreg.gather [hbm4b:s1+s3], $0x80, v3, vm0, $0xb8;
	[tilespmem:$0x10100] =	vst v63  }
0x106: {  	v3 =	vld [tilespmem:$0x60];
	_ =	sdelay $0x4  }
0x107: {  	v54 =	vshll.u32 v3, $0x1  }
0x108: {  	v3 =	vand.u32 $0x7, v3;
	v4 =	vand.u32 $0xFFFFFFF0, v54  }
0x109: {  	v3 =	vor.u32 v3, v4  }
0x10a: {  	v4 =	vperm.xlane v3, v0;
	_ =	sdelay $0x1  }
0x10b: {  	v3 =	vperm.xlane v3, v2;
	v4 =	vadd.s32 v1, v4;
	_ =	sdelay $0x1  }
0x10c: {  	v3 =	vadd.s32 v1, v3;
	_ =	sdelay $0x2  }
0x10d: {  	[tilespmem:s25], [sflag:$0x1] =	stream.indirect_vreg.gather [hbm4b:s1+s3], $0x80, v4, vm0, $0xb8;
	[tilespmem:$0x10100] =	vst v63  }
0x10e: {  	_ = 	snop  }
0x10f: {  	[tilespmem:s26], [sflag:$0x1] =	stream.indirect_vreg.gather [hbm4b:s1+s3], $0x80, v3, vm0, $0xb8;
	[tilespmem:$0x10100] =	vst v63  }
0x110: {  	v3 =	vld [tilespmem:$0x70];
	_ =	sdelay $0x4  }
0x111: {  	v55 =	vshll.u32 v3, $0x1  }
0x112: {  	v3 =	vand.u32 $0x7, v3;
	v4 =	vand.u32 $0xFFFFFFF0, v55  }
0x113: {  	v3 =	vor.u32 v3, v4  }
0x114: {  	v4 =	vperm.xlane v3, v0;
	_ =	sdelay $0x1  }
0x115: {  	v3 =	vperm.xlane v3, v2;
	v4 =	vadd.s32 v1, v4;
	_ =	sdelay $0x1  }
0x116: {  	v3 =	vadd.s32 v1, v3;
	_ =	sdelay $0x2  }
0x117: {  	[tilespmem:s28], [sflag:$0x1] =	stream.indirect_vreg.gather [hbm4b:s1+s3], $0x80, v4, vm0, $0xb8;
	[tilespmem:$0x10100] =	vst v63  }
0x118: {  	_ = 	snop  }
0x119: {  	[tilespmem:s29], [sflag:$0x1] =	stream.indirect_vreg.gather [hbm4b:s1+s3], $0x80, v3, vm0, $0xb8;
	[tilespmem:$0x10100] =	vst v63  }
0x11a: {  	v3 =	vld [tilespmem:$0x80];
	_ =	sdelay $0x4  }
0x11b: {  	v56 =	vshll.u32 v3, $0x1  }
0x11c: {  	v3 =	vand.u32 $0x7, v3;
	v4 =	vand.u32 $0xFFFFFFF0, v56  }
0x11d: {  	v3 =	vor.u32 v3, v4  }
0x11e: {  	v4 =	vperm.xlane v3, v0;
	_ =	sdelay $0x1  }
0x11f: {  	v3 =	vperm.xlane v3, v2;
	v4 =	vadd.s32 v1, v4;
	_ =	sdelay $0x1  }
0x120: {  	v3 =	vadd.s32 v1, v3;
	_ =	sdelay $0x2  }
0x121: {  	[tilespmem:s30], [sflag:$0x1] =	stream.indirect_vreg.gather [hbm4b:s1+s3], $0x80, v4, vm0, $0xb8;
	[tilespmem:$0x10100] =	vst v63  }
0x122: {  	_ = 	snop  }
0x123: {  	[tilespmem:s31], [sflag:$0x1] =	stream.indirect_vreg.gather [hbm4b:s1+s3], $0x80, v3, vm0, $0xb8;
	[tilespmem:$0x10100] =	vst v63  }
0x124: {  	v3 =	vld [tilespmem:$0x90];
	_ =	sdelay $0x4  }
0x125: {  	v57 =	vshll.u32 v3, $0x1  }
0x126: {  	v3 =	vand.u32 $0x7, v3;
	v4 =	vand.u32 $0xFFFFFFF0, v57  }
0x127: {  	v3 =	vor.u32 v3, v4  }
0x128: {  	v4 =	vperm.xlane v3, v0;
	_ =	sdelay $0x1  }
0x129: {  	v3 =	vperm.xlane v3, v2;
	v4 =	vadd.s32 v1, v4;
	_ =	sdelay $0x1  }
0x12a: {  	v3 =	vadd.s32 v1, v3;
	_ =	sdelay $0x1  }
0x12b: {  	s13 =	simm.s32 $0x9100  }
0x12c: {  	[tilespmem:s13], [sflag:$0x1] =	stream.indirect_vreg.gather [hbm4b:s1+s3], $0x80, v4, vm0, $0xb8;
	[tilespmem:$0x10100] =	vst v63  }
0x12d: {  	_ = 	snop  }
0x12e: {  	[tilespmem:s2], [sflag:$0x1] =	stream.indirect_vreg.gather [hbm4b:s1+s3], $0x80, v3, vm0, $0xb8;
	[tilespmem:$0x10100] =	vst v63  }
0x12f: {  	v3 =	vld [tilespmem:$0xA0];
	_ =	sdelay $0x4  }
0x130: {  	v58 =	vshll.u32 v3, $0x1  }
0x131: {  	v3 =	vand.u32 $0x7, v3;
	v4 =	vand.u32 $0xFFFFFFF0, v58  }
0x132: {  	v3 =	vor.u32 v3, v4  }
0x133: {  	v4 =	vperm.xlane v3, v0;
	_ =	sdelay $0x1  }
0x134: {  	v3 =	vperm.xlane v3, v2;
	v4 =	vadd.s32 v1, v4;
	_ =	sdelay $0x1  }
0x135: {  	v3 =	vadd.s32 v1, v3;
	_ =	sdelay $0x2  }
0x136: {  	[tilespmem:s7], [sflag:$0x1] =	stream.indirect_vreg.gather [hbm4b:s1+s3], $0x80, v4, vm0, $0xb8;
	[tilespmem:$0x10100] =	vst v63  }
0x137: {  	_ = 	snop  }
0x138: {  	[tilespmem:s8], [sflag:$0x1] =	stream.indirect_vreg.gather [hbm4b:s1+s3], $0x80, v3, vm0, $0xb8;
	[tilespmem:$0x10100] =	vst v63  }
0x139: {  	v3 =	vld [tilespmem:$0xB0];
	_ =	sdelay $0x4  }
0x13a: {  	v59 =	vshll.u32 v3, $0x1  }
0x13b: {  	v3 =	vand.u32 $0x7, v3;
	v4 =	vand.u32 $0xFFFFFFF0, v59  }
0x13c: {  	v3 =	vor.u32 v3, v4  }
0x13d: {  	v4 =	vperm.xlane v3, v0;
	_ =	sdelay $0x1  }
0x13e: {  	v3 =	vperm.xlane v3, v2;
	v4 =	vadd.s32 v1, v4;
	_ =	sdelay $0x1  }
0x13f: {  	v3 =	vadd.s32 v1, v3;
	_ =	sdelay $0x2  }
0x140: {  	[tilespmem:s9], [sflag:$0x1] =	stream.indirect_vreg.gather [hbm4b:s1+s3], $0x80, v4, vm0, $0xb8;
	[tilespmem:$0x10100] =	vst v63  }
0x141: {  	_ = 	snop  }
0x142: {  	[tilespmem:s10], [sflag:$0x1] =	stream.indirect_vreg.gather [hbm4b:s1+s3], $0x80, v3, vm0, $0xb8;
	[tilespmem:$0x10100] =	vst v63  }
0x143: {  	v3 =	vld [tilespmem:$0xC0];
	_ =	sdelay $0x4  }
0x144: {  	v60 =	vshll.u32 v3, $0x1  }
0x145: {  	v3 =	vand.u32 $0x7, v3;
	v4 =	vand.u32 $0xFFFFFFF0, v60  }
0x146: {  	v3 =	vor.u32 v3, v4  }
0x147: {  	v4 =	vperm.xlane v3, v0;
	_ =	sdelay $0x1  }
0x148: {  	v3 =	vperm.xlane v3, v2;
	v4 =	vadd.s32 v1, v4;
	_ =	sdelay $0x1  }
0x149: {  	v3 =	vadd.s32 v1, v3;
	_ =	sdelay $0x2  }
0x14a: {  	[tilespmem:s11], [sflag:$0x1] =	stream.indirect_vreg.gather [hbm4b:s1+s3], $0x80, v4, vm0, $0xb8;
	[tilespmem:$0x10100] =	vst v63  }
0x14b: {  	_ = 	snop  }
0x14c: {  	[tilespmem:s6], [sflag:$0x1] =	stream.indirect_vreg.gather [hbm4b:s1+s3], $0x80, v3, vm0, $0xb8;
	[tilespmem:$0x10100] =	vst v63  }
0x14d: {  	v3 =	vld [tilespmem:$0xD0];
	_ =	sdelay $0x4  }
0x14e: {  	v61 =	vshll.u32 v3, $0x1  }
0x14f: {  	v3 =	vand.u32 $0x7, v3;
	v4 =	vand.u32 $0xFFFFFFF0, v61  }
0x150: {  	v3 =	vor.u32 v3, v4  }
0x151: {  	v4 =	vperm.xlane v3, v0;
	_ =	sdelay $0x1  }
0x152: {  	v3 =	vperm.xlane v3, v2;
	v4 =	vadd.s32 v1, v4;
	_ =	sdelay $0x1  }
0x153: {  	v3 =	vadd.s32 v1, v3;
	_ =	sdelay $0x1  }
0x154: {  	s13 =	simm.s32 $0xD100  }
0x155: {  	[tilespmem:s13], [sflag:$0x1] =	stream.indirect_vreg.gather [hbm4b:s1+s3], $0x80, v4, vm0, $0xb8;
	[tilespmem:$0x10100] =	vst v63  }
0x156: {  	s13 =	simm.s32 $0xD900  }
0x157: {  	[tilespmem:s13], [sflag:$0x1] =	stream.indirect_vreg.gather [hbm4b:s1+s3], $0x80, v3, vm0, $0xb8;
	[tilespmem:$0x10100] =	vst v63  }
0x158: {  	v3 =	vld [tilespmem:$0xE0];
	_ =	sdelay $0x4  }
0x159: {  	v62 =	vshll.u32 v3, $0x1  }
0x15a: {  	v3 =	vand.u32 $0x7, v3;
	v4 =	vand.u32 $0xFFFFFFF0, v62  }
0x15b: {  	v3 =	vor.u32 v3, v4  }
0x15c: {  	v4 =	vperm.xlane v3, v0;
	_ =	sdelay $0x1  }
0x15d: {  	v3 =	vperm.xlane v3, v2;
	v4 =	vadd.s32 v1, v4;
	_ =	sdelay $0x1  }
0x15e: {  	v3 =	vadd.s32 v1, v3;
	_ =	sdelay $0x1  }
0x15f: {  	s13 =	simm.s32 $0xE100  }
0x160: {  	[tilespmem:s13], [sflag:$0x1] =	stream.indirect_vreg.gather [hbm4b:s1+s3], $0x80, v4, vm0, $0xb8;
	[tilespmem:$0x10100] =	vst v63  }
0x161: {  	s13 =	simm.s32 $0xE900  }
0x162: {  	[tilespmem:s13], [sflag:$0x1] =	stream.indirect_vreg.gather [hbm4b:s1+s3], $0x80, v3, vm0, $0xb8;
	[tilespmem:$0x10100] =	vst v63  }
0x163: {  	v3 =	vld [tilespmem:$0xF0];
	_ =	sdelay $0x4  }
0x164: {  	v63 =	vshll.u32 v3, $0x1  }
0x165: {  	v3 =	vand.u32 $0x7, v3;
	v4 =	vand.u32 $0xFFFFFFF0, v63  }
0x166: {  	v3 =	vor.u32 v3, v4  }
0x167: {  	v4 =	vperm.xlane v3, v0;
	_ =	sdelay $0x1  }
0x168: {  	v3 =	vperm.xlane v3, v2;
	v4 =	vadd.s32 v1, v4;
	_ =	sdelay $0x1  }
0x169: {  	v3 =	vadd.s32 v1, v3;
	_ =	sdelay $0x1  }
0x16a: {  	s13 =	simm.s32 $0xF100  }
0x16b: {  	[tilespmem:s13], [sflag:$0x1] =	stream.indirect_vreg.gather [hbm4b:s1+s3], $0x80, v4, vm0, $0xb8;
	[tilespmem:$0x10100] =	vst v63  }
0x16c: {  	s13 =	simm.s32 $0xF900  }
0x16d: {  	[tilespmem:s13], [sflag:$0x1] =	stream.indirect_vreg.gather [hbm4b:s1+s3], $0x80, v3, vm0, $0xb8;
	[tilespmem:$0x10100] =	vst v63  }
0x16e: {  	_ =	swait.ge [sflag:s12], $0x10000  }
0x16f: {  	p0 =	sne.s32 s4, $0x1;
	s0 =	simm.s32 $0x100;
	[sflag:s12] =	ssyncset.done $0x0  }
.Ltmp0:
0x170: {  	s13 =	rddreg [dreg:$0x7];
	[sflag:s12] =	ssyncadd.s32 $0xFFFF0000;
	(pc) =	sbr.rel @p0 .LBB2_1-.Ltmp0, $4  }
0x171: {  	[hbm4b:s13+s3] =	stream.linear.scatter [tilespmem:s0], [sflag:$0x2], $0x10000, $0x38;
	[tilespmem:$0x10100] =	vst v63  }
0x172: {  	_ =	swait.ge [sflag:s5], $0x10000  }
0x173: {  	[sflag:s5] =	ssyncset.done $0x0  }
0x174: {  	s4 =	sadd.s32 $0xFFFFFFFF, s4;
	[sflag:s5] =	ssyncadd.s32 $0xFFFF0000  }
0x175: {  	_ =	sfence.sel $0x180000  }
0x176: {  	[bflag:$0x0] =	sbarrier.arrive $0xFFFF  }
0x177: {  	_ =	strace $0x90000047  }
0x178: {  	s0 =	stileid.u32;
	[bflag:$0x2] =	sbarrier.arrive $0xFFFF  }
0x179: {  	p0 =	sne.s32 s0, $0x0;
	s0 =	rddreg [dreg:$0x3]  }
0x17a: {  	s0 =	sadd.s32 @!p0 $0x100000, s0  }
0x17b: {  	[sflag:s0] =	ssyncadd.tile.s32 @!p0 $0x1;
	_ =	shalt  }
.Lfunc_end2:
_tile_overlayer_lowered:
.L_overlay_start_2:
0x17c: {  	(tag) =	ssettag $0x2  }
0x17d: {  	s0 =	rddreg [dreg:$0x0];
	s2 =	stileid.u32  }
0x17e: {  	s1 =	rddreg [dreg:$0x1];
	p0 =	sne.s32 s2, $0x0  }
0x17f: {  	s3 =	rddreg [dreg:$0x2];
	[bflag:$0x3] =	sbarrier.arrive $0xFFFF;
	s2 =	simm.s32 @!p0 $0x1C02  }
0x180: {  	[timem:s3], [sflag:s2] =	dma.local @!p0 [hbm:s0], s1  }
0x181: {  	s0 =	simm.s32 @!p0 $0x2  }
0x182: {  	_ =	swait.ge @!p0 [sflag:s0], s1  }
0x183: {  	s1 =	ssub.s32 @!p0 $0x0, s1;
	[sflag:s0] =	ssyncset.done @!p0 $0x0  }
0x184: {  	[sflag:s0] =	ssyncadd.s32 @!p0 s1  }
0x185: {  	[bflag:$0x3] =	sbarrier.arrive $0xFFFF  }
0x186: {  	_ =	shalt  }

</sc_bundles>
